<compile_context>
chip_gen: v7x
topology: tpu7x:2x2x1
jax: 0.10.2.dev20260603
libtpu: 0.0.44.dev20260713+nightly
codegen_flags: <defaults>
</compile_context>

<pallas_src>
import functools

import jax
import jax.numpy as jnp
from jax import lax
from jax.experimental import pallas as pl
from jax.experimental.pallas import tpu as pltpu
from jax.experimental.pallas import tpu_sc as plsc

N = 10000
E = 320000
D_IN = 128
DH = 64

NC = 2
NS = 16
NW = NC * NS
CHUNK = 128
EPT = 10112
C = EPT // CHUNK
EPAD = NW * EPT - E

NP = 10112
RPT = NP // NS

NPD = 10240
RPTD = NPD // NS
WD = 16

FP = jnp.float32


def _mesh():
    return plsc.VectorSubcoreMesh(core_axis_name="c", subcore_axis_name="s")


def _make_agg():
    @functools.partial(
        pl.kernel,
        out_type=jax.ShapeDtypeStruct((NC, NP, DH), FP),
        mesh=_mesh(),
        scratch_types=[
            pltpu.VMEM((C, CHUNK), jnp.int32),
            pltpu.VMEM((C, CHUNK), jnp.int32),
            pltpu.VMEM((CHUNK, DH), FP),
            pltpu.VMEM((CHUNK, DH), FP),
            pltpu.VMEM_SHARED((NP, DH), FP),
            pltpu.SemaphoreType.DMA,
            pltpu.SemaphoreType.DMA,
        ],
        compiler_params=pltpu.CompilerParams(use_tc_tiling_on_sc=False),
    )
    def agg(zeros_hbm, g_hbm, srcp_hbm, dstp_hbm, out_hbm,
            src_v, dst_v, rows0, rows1, acc, sem0, sem1):
        c = lax.axis_index("c")
        s = lax.axis_index("s")
        wid = c * NS + s
        row0 = s * RPT
        pltpu.sync_copy(zeros_hbm.at[pl.ds(row0, RPT)], acc.at[pl.ds(row0, RPT)])
        pltpu.sync_copy(srcp_hbm.at[wid], src_v)
        pltpu.sync_copy(dstp_hbm.at[wid], dst_v)
        plsc.subcore_barrier()

        pltpu.async_copy(g_hbm.at[src_v.at[0]], rows0, sem0)

        def pair(i, carry):
            j0 = 2 * i
            j1 = j0 + 1
            pltpu.async_copy(g_hbm.at[src_v.at[j1]], rows1, sem1)
            pltpu.make_async_copy(g_hbm.at[src_v.at[j0]], rows0, sem0).wait()
            pltpu.sync_copy(rows0, acc.at[dst_v.at[j0]], add=True)
            pltpu.async_copy(g_hbm.at[src_v.at[j0 + 2]], rows0, sem0)
            pltpu.make_async_copy(g_hbm.at[src_v.at[j1]], rows1, sem1).wait()
            pltpu.sync_copy(rows1, acc.at[dst_v.at[j1]], add=True)
            return carry

        lax.fori_loop(0, (C - 1) // 2, pair, 0)
        pltpu.make_async_copy(g_hbm.at[src_v.at[C - 1]], rows0, sem0).wait()
        pltpu.sync_copy(rows0, acc.at[dst_v.at[C - 1]], add=True)
        plsc.subcore_barrier()
        pltpu.sync_copy(acc.at[pl.ds(row0, RPT)], out_hbm.at[c, pl.ds(row0, RPT)])

    return agg


def _make_deg():
    @functools.partial(
        pl.kernel,
        out_type=jax.ShapeDtypeStruct((NC, NPD, WD), FP),
        mesh=_mesh(),
        scratch_types=[
            pltpu.VMEM((C, CHUNK), jnp.int32),
            pltpu.VMEM((CHUNK, WD), FP),
            pltpu.VMEM_SHARED((NPD, WD), FP),
        ],
        compiler_params=pltpu.CompilerParams(use_tc_tiling_on_sc=False),
    )
    def deg(zeros_hbm, ones_hbm, dstp_hbm, out_hbm, dst_v, ones_v, acc):
        c = lax.axis_index("c")
        s = lax.axis_index("s")
        wid = c * NS + s
        row0 = s * RPTD
        pltpu.sync_copy(zeros_hbm.at[pl.ds(row0, RPTD)], acc.at[pl.ds(row0, RPTD)])
        pltpu.sync_copy(ones_hbm, ones_v)
        pltpu.sync_copy(dstp_hbm.at[wid], dst_v)
        plsc.subcore_barrier()

        def chunk(j, carry):
            pltpu.sync_copy(ones_v, acc.at[dst_v.at[j]], add=True)
            return carry

        lax.fori_loop(0, C, chunk, 0)
        plsc.subcore_barrier()
        pltpu.sync_copy(acc.at[pl.ds(row0, RPTD)], out_hbm.at[c, pl.ds(row0, RPTD)])

    return deg


def _mm(a, b):
    return lax.dot_general(a, b, (((1,), (0,)), ((), ())),
                           precision=lax.Precision.DEFAULT,
                           preferred_element_type=FP)


B = 2000


def _tc0_body(degp, x, w_in, b_in, w_g0, dis_o, g_o, d2h_o):
    deg = degp[0, :, 0] + degp[1, :, 0] + 1.0
    dis = lax.rsqrt(deg)[:, None]
    h0 = jnp.maximum(_mm(x[...], w_in[...]) + b_in[...], 0.0)
    hw = _mm(h0, w_g0[...])
    g = dis * hw
    dis_o[...] = dis
    g_o[...] = g
    d2h_o[...] = dis * g


def _tc_mid_body(aggp, d2h, dis, b_prev, w, g_o, d2h_o):
    a = aggp[0] + aggp[1]
    dis_v = dis[...]
    h = jnp.maximum(dis_v * a + d2h[...] + b_prev[...], 0.0)
    hw = _mm(h, w[...])
    g = dis_v * hw
    g_o[...] = g
    d2h_o[...] = dis_v * g


def _tc3_body(aggp, d2h, dis, b_g2, w_o1, b_o1, w_o2, b_o2, out):
    a = aggp[0] + aggp[1]
    dis_v = dis[...]
    h = jnp.maximum(dis_v * a + d2h[...] + b_g2[...], 0.0)
    t = jnp.maximum(_mm(h, w_o1[...]) + b_o1[...], 0.0)
    out[...] = _mm(t, w_o2[...]) + b_o2[...]


def _row_spec(d):
    return pl.BlockSpec((B, d), lambda i: (i, 0))


def _full_spec(r, d):
    return pl.BlockSpec((r, d), lambda i: (0, 0))


def _tc0(degp, x, w_in, b_in, w_g0):
    return pl.pallas_call(
        _tc0_body,
        grid=(N // B,),
        in_specs=[
            pl.BlockSpec((2, B, WD), lambda i: (0, i, 0)),
            _row_spec(D_IN),
            _full_spec(D_IN, DH),
            _full_spec(1, DH),
            _full_spec(DH, DH),
        ],
        out_specs=[_row_spec(1), _row_spec(DH), _row_spec(DH)],
        out_shape=[
            jax.ShapeDtypeStruct((N, 1), FP),
            jax.ShapeDtypeStruct((N, DH), FP),
            jax.ShapeDtypeStruct((N, DH), FP),
        ],
    )(degp, x, w_in, b_in, w_g0)


def _agg_spec():
    return pl.BlockSpec((2, B, DH), lambda i: (0, i, 0))


def _tc_mid(aggp, d2h, dis, b_prev, w):
    return pl.pallas_call(
        _tc_mid_body,
        grid=(N // B,),
        in_specs=[
            _agg_spec(),
            _row_spec(DH),
            _row_spec(1),
            _full_spec(1, DH),
            _full_spec(DH, DH),
        ],
        out_specs=[_row_spec(DH), _row_spec(DH)],
        out_shape=[
            jax.ShapeDtypeStruct((N, DH), FP),
            jax.ShapeDtypeStruct((N, DH), FP),
        ],
    )(aggp, d2h, dis, b_prev, w)


def _tc3(aggp, d2h, dis, b_g2, w_o1, b_o1, w_o2, b_o2):
    return pl.pallas_call(
        _tc3_body,
        grid=(N // B,),
        in_specs=[
            _agg_spec(),
            _row_spec(DH),
            _row_spec(1),
            _full_spec(1, DH),
            _full_spec(DH, DH // 2),
            _full_spec(1, DH // 2),
            _full_spec(DH // 2, 1),
            _full_spec(1, 1),
        ],
        out_specs=[_row_spec(1)],
        out_shape=[jax.ShapeDtypeStruct((N, 1), FP)],
    )(aggp, d2h, dis, b_g2, w_o1, b_o1, w_o2, b_o2)[0]


@jax.jit
def _run(x, edge_index, W_in, b_in, W_g0, b_g0, W_g1, b_g1, W_g2, b_g2,
         W_o1, b_o1, W_o2, b_o2):
    src = edge_index[0].astype(jnp.int32)
    dst = edge_index[1].astype(jnp.int32)
    srcp = jnp.concatenate([src, jnp.arange(EPAD, dtype=jnp.int32) % N]).reshape(NW, C, CHUNK)
    dstp = jnp.concatenate([dst, N + (jnp.arange(EPAD, dtype=jnp.int32) % (NP - N))]).reshape(NW, C, CHUNK)

    zeros_agg = jnp.zeros((NP, DH), FP)
    zeros_deg = jnp.zeros((NPD, WD), FP)
    ones_deg = jnp.ones((CHUNK, WD), FP)

    agg = _make_agg()
    degp = _make_deg()(zeros_deg, ones_deg, dstp)

    dis, g0, d2h0 = _tc0(degp, x, W_in, b_in.reshape(1, DH), W_g0)

    a0 = agg(zeros_agg, g0, srcp, dstp)
    g1, d2h1 = _tc_mid(a0, d2h0, dis, b_g0.reshape(1, DH), W_g1)

    a1 = agg(zeros_agg, g1, srcp, dstp)
    g2, d2h2 = _tc_mid(a1, d2h1, dis, b_g1.reshape(1, DH), W_g2)

    a2 = agg(zeros_agg, g2, srcp, dstp)
    out = _tc3(a2, d2h2, dis, b_g2.reshape(1, DH), W_o1,
               b_o1.reshape(1, DH // 2), W_o2, b_o2.reshape(1, 1))
    return out


def kernel(x, edge_index, W_in, b_in, W_g0, b_g0, W_g1, b_g1, W_g2, b_g2,
           W_o1, b_o1, W_o2, b_o2):
    return _run(x, edge_index, W_in, b_in, W_g0, b_g0, W_g1, b_g1, W_g2, b_g2,
                W_o1, b_o1, W_o2, b_o2)

# --- scband reference (transcript-rebuilt; emitter-appended) ---
"""Pipeline reference for scband-multi-modal-gcn-28278064676997 (READ-ONLY COPY).

The authoritative reference and input builder live on the scoring server;
editing this copy changes nothing except your own understanding.
"""

import jax, jax.numpy as jnp
import numpy as np

N = 10000
E = 320000
D_IN = 128
D_H = 64


def gcn_conv(x, edge_index, W, b):
    n = x.shape[0]
    loop = jnp.arange(n, dtype=edge_index.dtype)
    src = jnp.concatenate([edge_index[0], loop])
    dst = jnp.concatenate([edge_index[1], loop])
    ones = jnp.ones(src.shape[0], dtype=x.dtype)
    deg = jax.ops.segment_sum(ones, dst, num_segments=n)
    deg_inv_sqrt = jnp.where(deg > 0, 1.0 / jnp.sqrt(jnp.where(deg > 0, deg, 1.0)), 0.0)
    norm = deg_inv_sqrt[src] * deg_inv_sqrt[dst]
    h = x @ W
    msg = h[src] * norm[:, None]
    out = jax.ops.segment_sum(msg, dst, num_segments=n)
    return out + b


def setup_inputs(seed: int = 0):
    key = jax.random.key(seed)
    ks = jax.random.split(key, 16)
    x = jax.random.normal(ks[0], (N, D_IN), dtype=jnp.float32)
    edge_index = jax.random.randint(ks[1], (2, E), 0, N, dtype=jnp.int32)
    s = 0.1
    params = {
        'W_in': s * jax.random.normal(ks[2], (D_IN, D_H), dtype=jnp.float32),
        'b_in': jnp.zeros((D_H,), dtype=jnp.float32),
        'W_g0': s * jax.random.normal(ks[3], (D_H, D_H), dtype=jnp.float32),
        'b_g0': jnp.zeros((D_H,), dtype=jnp.float32),
        'W_g1': s * jax.random.normal(ks[4], (D_H, D_H), dtype=jnp.float32),
        'b_g1': jnp.zeros((D_H,), dtype=jnp.float32),
        'W_g2': s * jax.random.normal(ks[5], (D_H, D_H), dtype=jnp.float32),
        'b_g2': jnp.zeros((D_H,), dtype=jnp.float32),
        'W_o1': s * jax.random.normal(ks[6], (D_H, D_H // 2), dtype=jnp.float32),
        'b_o1': jnp.zeros((D_H // 2,), dtype=jnp.float32),
        'W_o2': s * jax.random.normal(ks[7], (D_H // 2, 1), dtype=jnp.float32),
        'b_o2': jnp.zeros((1,), dtype=jnp.float32),
    }
    return {'x': x, 'edge_index': edge_index, **params}


def reference(x, edge_index, W_in, b_in, W_g0, b_g0, W_g1, b_g1, W_g2, b_g2, W_o1, b_o1, W_o2, b_o2):
    # input projection (dropout is identity in eval mode)
    h = jax.nn.relu(x @ W_in + b_in)
    # 3 GCN layers with ReLU
    h = jax.nn.relu(gcn_conv(h, edge_index, W_g0, b_g0))
    h = jax.nn.relu(gcn_conv(h, edge_index, W_g1, b_g1))
    h = jax.nn.relu(gcn_conv(h, edge_index, W_g2, b_g2))
    # output MLP head
    h = jax.nn.relu(h @ W_o1 + b_o1)
    out = h @ W_o2 + b_o2
    return out

if __name__ == "__main__":
    import jax
    _d = setup_inputs()
    print(jax.jit(kernel)(*tuple(_d.values())))

</pallas_src>

<mosaic_0001>
#map = affine_map<(d0, d1) -> (0, 0)>
#map1 = affine_map<(d0, d1) -> (0, 0, 0)>
module attributes {stable_mosaic.version = 14 : i64} {
  func.func @agg(%arg0: i32, %arg1: i32, %arg2: memref<10112x64xf32, #tpu.memory_space<hbm>>, %arg3: memref<10000x64xf32, #tpu.memory_space<hbm>>, %arg4: memref<32x79x128xi32, #tpu.memory_space<hbm>>, %arg5: memref<32x79x128xi32, #tpu.memory_space<hbm>>, %arg6: memref<2x10112x64xf32, #tpu.memory_space<hbm>>, %arg7: memref<79x128xi32, #tpu.memory_space<vmem>>, %arg8: memref<79x128xi32, #tpu.memory_space<vmem>>, %arg9: memref<128x64xf32, #tpu.memory_space<vmem>>, %arg10: memref<128x64xf32, #tpu.memory_space<vmem>>, %arg11: memref<10112x64xf32, #tpu.memory_space<vmem_shared>>, %arg12: memref<!tpu.dma_semaphore, #tpu.memory_space<semaphore_mem>>, %arg13: memref<!tpu.dma_semaphore, #tpu.memory_space<semaphore_mem>>) attributes {dimension_semantics = [#tpu.dimension_semantics<core_parallel>, #tpu.dimension_semantics<subcore_parallel>], iteration_bounds = array<i64: 2, 16>, scalar_prefetch = 0 : i64, scratch_operands = 7 : i64, tpu.core_type = #tpu.core_type<sc_vector_subcore>, window_params = [{transform_indices = #map}, {transform_indices = #map}, {transform_indices = #map1}, {transform_indices = #map1}, {transform_indices = #map1}]} {
    %mul3A = arith.constant 16 : i32
    %mul3A_0 = arith.muli %arg0, %mul3A : i32
    %add3A = arith.addi %mul3A_0, %arg1 : i32
    %mul3A_1 = arith.constant 632 : i32
    %mul3A_2 = arith.muli %arg1, %mul3A_1 : i32
    "tpu.region"() ({
      %run_scoped3A_21 = tpu.sem_alloc : memref<!tpu.dma_semaphore, #tpu.memory_space<semaphore_mem>>
      %dma_start3A_22 = arith.constant 0 : i32
      %dma_start3A_23 = tpu.memref_slice %arg11[%mul3A_2, %dma_start3A_22] : memref<10112x64xf32, #tpu.memory_space<vmem_shared>> -> memref<632x64xf32, #tpu.memory_space<vmem_shared>>
      %dma_start3A_24 = arith.constant 0 : i32
      %dma_start3A_25 = tpu.memref_slice %arg2[%mul3A_2, %dma_start3A_24] : memref<10112x64xf32, #tpu.memory_space<hbm>> -> memref<632x64xf32, #tpu.memory_space<hbm>>
      tpu.enqueue_dma source(%dma_start3A_25 : memref<632x64xf32, #tpu.memory_space<hbm>>) target(%dma_start3A_23 : memref<632x64xf32, #tpu.memory_space<vmem_shared>>) target_semaphore(%run_scoped3A_21 : memref<!tpu.dma_semaphore, #tpu.memory_space<semaphore_mem>>)
      %dma_wait3A_26 = arith.constant 0 : i32
      %dma_wait3A_27 = tpu.memref_slice %arg11[%mul3A_2, %dma_wait3A_26] : memref<10112x64xf32, #tpu.memory_space<vmem_shared>> -> memref<632x64xf32, #tpu.memory_space<vmem_shared>>
      %dma_wait3A_28 = arith.constant 0 : i32
      %dma_wait3A_29 = tpu.memref_slice %arg2[%mul3A_2, %dma_wait3A_28] : memref<10112x64xf32, #tpu.memory_space<hbm>> -> memref<632x64xf32, #tpu.memory_space<hbm>>
      tpu.wait_dma2 semaphore(%run_scoped3A_21 : memref<!tpu.dma_semaphore, #tpu.memory_space<semaphore_mem>>) src(%dma_wait3A_29 : memref<632x64xf32, #tpu.memory_space<hbm>>) dst(%dma_wait3A_27 : memref<632x64xf32, #tpu.memory_space<vmem_shared>>)
      tpu.yield
    }) : () -> ()
    "tpu.region"() ({
      %run_scoped3A_21 = tpu.sem_alloc : memref<!tpu.dma_semaphore, #tpu.memory_space<semaphore_mem>>
      %dma_start3A_22 = arith.constant 0 : i32
      %dma_start3A_23 = arith.constant 0 : i32
      %dma_start3A_24 = tpu.memref_slice %arg4[%add3A, %dma_start3A_22, %dma_start3A_23] : memref<32x79x128xi32, #tpu.memory_space<hbm>> -> memref<1x79x128xi32, #tpu.memory_space<hbm>>
      %dma_start3A_25 = tpu.memref_squeeze %dma_start3A_24 : memref<1x79x128xi32, #tpu.memory_space<hbm>> -> memref<79x128xi32, #tpu.memory_space<hbm>>
      %dma_start3A_26 = arith.constant 0 : i32
      %dma_start3A_27 = arith.constant 0 : i32
      %dma_start3A_28 = tpu.memref_slice %arg4[%add3A, %dma_start3A_26, %dma_start3A_27] : memref<32x79x128xi32, #tpu.memory_space<hbm>> -> memref<1x79x128xi32, #tpu.memory_space<hbm>>
      %dma_start3A_29 = tpu.memref_squeeze %dma_start3A_28 : memref<1x79x128xi32, #tpu.memory_space<hbm>> -> memref<79x128xi32, #tpu.memory_space<hbm>>
      tpu.enqueue_dma source(%dma_start3A_29 : memref<79x128xi32, #tpu.memory_space<hbm>>) target(%arg7 : memref<79x128xi32, #tpu.memory_space<vmem>>) target_semaphore(%run_scoped3A_21 : memref<!tpu.dma_semaphore, #tpu.memory_space<semaphore_mem>>)
      %dma_wait3A_30 = arith.constant 0 : i32
      %dma_wait3A_31 = arith.constant 0 : i32
      %dma_wait3A_32 = tpu.memref_slice %arg4[%add3A, %dma_wait3A_30, %dma_wait3A_31] : memref<32x79x128xi32, #tpu.memory_space<hbm>> -> memref<1x79x128xi32, #tpu.memory_space<hbm>>
      %dma_wait3A_33 = tpu.memref_squeeze %dma_wait3A_32 : memref<1x79x128xi32, #tpu.memory_space<hbm>> -> memref<79x128xi32, #tpu.memory_space<hbm>>
      %dma_wait3A_34 = arith.constant 0 : i32
      %dma_wait3A_35 = arith.constant 0 : i32
      %dma_wait3A_36 = tpu.memref_slice %arg4[%add3A, %dma_wait3A_34, %dma_wait3A_35] : memref<32x79x128xi32, #tpu.memory_space<hbm>> -> memref<1x79x128xi32, #tpu.memory_space<hbm>>
      %dma_wait3A_37 = tpu.memref_squeeze %dma_wait3A_36 : memref<1x79x128xi32, #tpu.memory_space<hbm>> -> memref<79x128xi32, #tpu.memory_space<hbm>>
      tpu.wait_dma2 semaphore(%run_scoped3A_21 : memref<!tpu.dma_semaphore, #tpu.memory_space<semaphore_mem>>) src(%dma_wait3A_37 : memref<79x128xi32, #tpu.memory_space<hbm>>) dst(%arg7 : memref<79x128xi32, #tpu.memory_space<vmem>>)
      tpu.yield
    }) : () -> ()
    "tpu.region"() ({
      %run_scoped3A_21 = tpu.sem_alloc : memref<!tpu.dma_semaphore, #tpu.memory_space<semaphore_mem>>
      %dma_start3A_22 = arith.constant 0 : i32
      %dma_start3A_23 = arith.constant 0 : i32
      %dma_start3A_24 = tpu.memref_slice %arg5[%add3A, %dma_start3A_22, %dma_start3A_23] : memref<32x79x128xi32, #tpu.memory_space<hbm>> -> memref<1x79x128xi32, #tpu.memory_space<hbm>>
      %dma_start3A_25 = tpu.memref_squeeze %dma_start3A_24 : memref<1x79x128xi32, #tpu.memory_space<hbm>> -> memref<79x128xi32, #tpu.memory_space<hbm>>
      %dma_start3A_26 = arith.constant 0 : i32
      %dma_start3A_27 = arith.constant 0 : i32
      %dma_start3A_28 = tpu.memref_slice %arg5[%add3A, %dma_start3A_26, %dma_start3A_27] : memref<32x79x128xi32, #tpu.memory_space<hbm>> -> memref<1x79x128xi32, #tpu.memory_space<hbm>>
      %dma_start3A_29 = tpu.memref_squeeze %dma_start3A_28 : memref<1x79x128xi32, #tpu.memory_space<hbm>> -> memref<79x128xi32, #tpu.memory_space<hbm>>
      tpu.enqueue_dma source(%dma_start3A_29 : memref<79x128xi32, #tpu.memory_space<hbm>>) target(%arg8 : memref<79x128xi32, #tpu.memory_space<vmem>>) target_semaphore(%run_scoped3A_21 : memref<!tpu.dma_semaphore, #tpu.memory_space<semaphore_mem>>)
      %dma_wait3A_30 = arith.constant 0 : i32
      %dma_wait3A_31 = arith.constant 0 : i32
      %dma_wait3A_32 = tpu.memref_slice %arg5[%add3A, %dma_wait3A_30, %dma_wait3A_31] : memref<32x79x128xi32, #tpu.memory_space<hbm>> -> memref<1x79x128xi32, #tpu.memory_space<hbm>>
      %dma_wait3A_33 = tpu.memref_squeeze %dma_wait3A_32 : memref<1x79x128xi32, #tpu.memory_space<hbm>> -> memref<79x128xi32, #tpu.memory_space<hbm>>
      %dma_wait3A_34 = arith.constant 0 : i32
      %dma_wait3A_35 = arith.constant 0 : i32
      %dma_wait3A_36 = tpu.memref_slice %arg5[%add3A, %dma_wait3A_34, %dma_wait3A_35] : memref<32x79x128xi32, #tpu.memory_space<hbm>> -> memref<1x79x128xi32, #tpu.memory_space<hbm>>
      %dma_wait3A_37 = tpu.memref_squeeze %dma_wait3A_36 : memref<1x79x128xi32, #tpu.memory_space<hbm>> -> memref<79x128xi32, #tpu.memory_space<hbm>>
      tpu.wait_dma2 semaphore(%run_scoped3A_21 : memref<!tpu.dma_semaphore, #tpu.memory_space<semaphore_mem>>) src(%dma_wait3A_37 : memref<79x128xi32, #tpu.memory_space<hbm>>) dst(%arg8 : memref<79x128xi32, #tpu.memory_space<vmem>>)
      tpu.yield
    }) : () -> ()
    %barrier3A = arith.constant 0 : index
    tpu.barrier barrier_id(%barrier3A)
    %dma_start3A = arith.constant 0 : i32
    %dma_start3A_3 = arith.constant 0 : i32
    %dma_start3A_4 = tpu.memref_slice %arg7[%dma_start3A, %dma_start3A_3] : memref<79x128xi32, #tpu.memory_space<vmem>> -> memref<1x128xi32, #tpu.memory_space<vmem>>
    %dma_start3A_5 = tpu.memref_squeeze %dma_start3A_4 : memref<1x128xi32, #tpu.memory_space<vmem>> -> memref<128xi32, #tpu.memory_space<vmem>>
    %dma_start3A_6 = arith.constant 0 : i32
    %dma_start3A_7 = arith.constant 0 : i32
    %dma_start3A_8 = tpu.memref_slice %arg3[%dma_start3A_6, %dma_start3A_7] : memref<10000x64xf32, #tpu.memory_space<hbm>> -> memref<10000x64xf32, #tpu.memory_space<hbm>>
    tpu.enqueue_indirect_dma source(%dma_start3A_8 : memref<10000x64xf32, #tpu.memory_space<hbm>>) target(%arg9 : memref<128x64xf32, #tpu.memory_space<vmem>>) offsets(%dma_start3A_5 : memref<128xi32, #tpu.memory_space<vmem>>) semaphore(%arg12 : memref<!tpu.dma_semaphore, #tpu.memory_space<semaphore_mem>>)
    %scan3A = arith.constant 0 : i32
    %scan3A_9 = arith.constant 0 : i32
    %scan3A_10 = arith.constant 39 : i32
    %scan3A_11 = arith.addi %scan3A_9, %scan3A_10 : i32
    %scan3A_12 = arith.constant 1 : i32
    scf.for %scan3A_21 = %scan3A_9 to %scan3A_11 step %scan3A_12  : i32 {
      %mul3A_22 = arith.constant 2 : i32
      %mul3A_23 = arith.muli %mul3A_22, %scan3A_21 : i32
      %add3A_24 = arith.constant 1 : i32
      %add3A_25 = arith.addi %mul3A_23, %add3A_24 : i32
      %dma_start3A_26 = arith.constant 0 : i32
      %dma_start3A_27 = tpu.memref_slice %arg7[%add3A_25, %dma_start3A_26] : memref<79x128xi32, #tpu.memory_space<vmem>> -> memref<1x128xi32, #tpu.memory_space<vmem>>
      %dma_start3A_28 = tpu.memref_squeeze %dma_start3A_27 : memref<1x128xi32, #tpu.memory_space<vmem>> -> memref<128xi32, #tpu.memory_space<vmem>>
      %dma_start3A_29 = arith.constant 0 : i32
      %dma_start3A_30 = arith.constant 0 : i32
      %dma_start3A_31 = tpu.memref_slice %arg3[%dma_start3A_29, %dma_start3A_30] : memref<10000x64xf32, #tpu.memory_space<hbm>> -> memref<10000x64xf32, #tpu.memory_space<hbm>>
      tpu.enqueue_indirect_dma source(%dma_start3A_31 : memref<10000x64xf32, #tpu.memory_space<hbm>>) target(%arg10 : memref<128x64xf32, #tpu.memory_space<vmem>>) offsets(%dma_start3A_28 : memref<128xi32, #tpu.memory_space<vmem>>) semaphore(%arg13 : memref<!tpu.dma_semaphore, #tpu.memory_space<semaphore_mem>>)
      %dma_wait3A_32 = arith.constant 0 : i32
      %dma_wait3A_33 = tpu.memref_slice %arg7[%mul3A_23, %dma_wait3A_32] : memref<79x128xi32, #tpu.memory_space<vmem>> -> memref<1x128xi32, #tpu.memory_space<vmem>>
      %dma_wait3A_34 = tpu.memref_squeeze %dma_wait3A_33 : memref<1x128xi32, #tpu.memory_space<vmem>> -> memref<128xi32, #tpu.memory_space<vmem>>
      %dma_wait3A_35 = arith.constant 0 : i32
      %dma_wait3A_36 = arith.constant 0 : i32
      %dma_wait3A_37 = tpu.memref_slice %arg3[%dma_wait3A_35, %dma_wait3A_36] : memref<10000x64xf32, #tpu.memory_space<hbm>> -> memref<10000x64xf32, #tpu.memory_space<hbm>>
      tpu.wait_indirect_dma semaphore(%arg12 : memref<!tpu.dma_semaphore, #tpu.memory_space<semaphore_mem>>) src(%dma_wait3A_37 : memref<10000x64xf32, #tpu.memory_space<hbm>>) dst(%arg9 : memref<128x64xf32, #tpu.memory_space<vmem>>)
      "tpu.region"() ({
        %run_scoped3A_52 = tpu.sem_alloc : memref<!tpu.dma_semaphore, #tpu.memory_space<semaphore_mem>>
        %dma_start3A_53 = arith.constant 0 : i32
        %dma_start3A_54 = tpu.memref_slice %arg8[%mul3A_23, %dma_start3A_53] : memref<79x128xi32, #tpu.memory_space<vmem>> -> memref<1x128xi32, #tpu.memory_space<vmem>>
        %dma_start3A_55 = tpu.memref_squeeze %dma_start3A_54 : memref<1x128xi32, #tpu.memory_space<vmem>> -> memref<128xi32, #tpu.memory_space<vmem>>
        %dma_start3A_56 = arith.constant 0 : i32
        %dma_start3A_57 = arith.constant 0 : i32
        %dma_start3A_58 = tpu.memref_slice %arg11[%dma_start3A_56, %dma_start3A_57] : memref<10112x64xf32, #tpu.memory_space<vmem_shared>> -> memref<10112x64xf32, #tpu.memory_space<vmem_shared>>
        tpu.enqueue_indirect_dma source(%arg9 : memref<128x64xf32, #tpu.memory_space<vmem>>) target(%dma_start3A_58 : memref<10112x64xf32, #tpu.memory_space<vmem_shared>>) offsets(%dma_start3A_55 : memref<128xi32, #tpu.memory_space<vmem>>) semaphore(%run_scoped3A_52 : memref<!tpu.dma_semaphore, #tpu.memory_space<semaphore_mem>>) {add = true}
        %dma_wait3A_59 = arith.constant 0 : i32
        %dma_wait3A_60 = tpu.memref_slice %arg8[%mul3A_23, %dma_wait3A_59] : memref<79x128xi32, #tpu.memory_space<vmem>> -> memref<1x128xi32, #tpu.memory_space<vmem>>
        %dma_wait3A_61 = tpu.memref_squeeze %dma_wait3A_60 : memref<1x128xi32, #tpu.memory_space<vmem>> -> memref<128xi32, #tpu.memory_space<vmem>>
        %dma_wait3A_62 = arith.constant 0 : i32
        %dma_wait3A_63 = arith.constant 0 : i32
        %dma_wait3A_64 = tpu.memref_slice %arg11[%dma_wait3A_62, %dma_wait3A_63] : memref<10112x64xf32, #tpu.memory_space<vmem_shared>> -> memref<10112x64xf32, #tpu.memory_space<vmem_shared>>
        tpu.wait_indirect_dma semaphore(%run_scoped3A_52 : memref<!tpu.dma_semaphore, #tpu.memory_space<semaphore_mem>>) src(%arg9 : memref<128x64xf32, #tpu.memory_space<vmem>>) dst(%dma_wait3A_64 : memref<10112x64xf32, #tpu.memory_space<vmem_shared>>)
        tpu.yield
      }) : () -> ()
      %add3A_38 = arith.constant 2 : i32
      %add3A_39 = arith.addi %mul3A_23, %add3A_38 : i32
      %dma_start3A_40 = arith.constant 0 : i32
      %dma_start3A_41 = tpu.memref_slice %arg7[%add3A_39, %dma_start3A_40] : memref<79x128xi32, #tpu.memory_space<vmem>> -> memref<1x128xi32, #tpu.memory_space<vmem>>
      %dma_start3A_42 = tpu.memref_squeeze %dma_start3A_41 : memref<1x128xi32, #tpu.memory_space<vmem>> -> memref<128xi32, #tpu.memory_space<vmem>>
      %dma_start3A_43 = arith.constant 0 : i32
      %dma_start3A_44 = arith.constant 0 : i32
      %dma_start3A_45 = tpu.memref_slice %arg3[%dma_start3A_43, %dma_start3A_44] : memref<10000x64xf32, #tpu.memory_space<hbm>> -> memref<10000x64xf32, #tpu.memory_space<hbm>>
      tpu.enqueue_indirect_dma source(%dma_start3A_45 : memref<10000x64xf32, #tpu.memory_space<hbm>>) target(%arg9 : memref<128x64xf32, #tpu.memory_space<vmem>>) offsets(%dma_start3A_42 : memref<128xi32, #tpu.memory_space<vmem>>) semaphore(%arg12 : memref<!tpu.dma_semaphore, #tpu.memory_space<semaphore_mem>>)
      %dma_wait3A_46 = arith.constant 0 : i32
      %dma_wait3A_47 = tpu.memref_slice %arg7[%add3A_25, %dma_wait3A_46] : memref<79x128xi32, #tpu.memory_space<vmem>> -> memref<1x128xi32, #tpu.memory_space<vmem>>
      %dma_wait3A_48 = tpu.memref_squeeze %dma_wait3A_47 : memref<1x128xi32, #tpu.memory_space<vmem>> -> memref<128xi32, #tpu.memory_space<vmem>>
      %dma_wait3A_49 = arith.constant 0 : i32
      %dma_wait3A_50 = arith.constant 0 : i32
      %dma_wait3A_51 = tpu.memref_slice %arg3[%dma_wait3A_49, %dma_wait3A_50] : memref<10000x64xf32, #tpu.memory_space<hbm>> -> memref<10000x64xf32, #tpu.memory_space<hbm>>
      tpu.wait_indirect_dma semaphore(%arg13 : memref<!tpu.dma_semaphore, #tpu.memory_space<semaphore_mem>>) src(%dma_wait3A_51 : memref<10000x64xf32, #tpu.memory_space<hbm>>) dst(%arg10 : memref<128x64xf32, #tpu.memory_space<vmem>>)
      "tpu.region"() ({
        %run_scoped3A_52 = tpu.sem_alloc : memref<!tpu.dma_semaphore, #tpu.memory_space<semaphore_mem>>
        %dma_start3A_53 = arith.constant 0 : i32
        %dma_start3A_54 = tpu.memref_slice %arg8[%add3A_25, %dma_start3A_53] : memref<79x128xi32, #tpu.memory_space<vmem>> -> memref<1x128xi32, #tpu.memory_space<vmem>>
        %dma_start3A_55 = tpu.memref_squeeze %dma_start3A_54 : memref<1x128xi32, #tpu.memory_space<vmem>> -> memref<128xi32, #tpu.memory_space<vmem>>
        %dma_start3A_56 = arith.constant 0 : i32
        %dma_start3A_57 = arith.constant 0 : i32
        %dma_start3A_58 = tpu.memref_slice %arg11[%dma_start3A_56, %dma_start3A_57] : memref<10112x64xf32, #tpu.memory_space<vmem_shared>> -> memref<10112x64xf32, #tpu.memory_space<vmem_shared>>
        tpu.enqueue_indirect_dma source(%arg10 : memref<128x64xf32, #tpu.memory_space<vmem>>) target(%dma_start3A_58 : memref<10112x64xf32, #tpu.memory_space<vmem_shared>>) offsets(%dma_start3A_55 : memref<128xi32, #tpu.memory_space<vmem>>) semaphore(%run_scoped3A_52 : memref<!tpu.dma_semaphore, #tpu.memory_space<semaphore_mem>>) {add = true}
        %dma_wait3A_59 = arith.constant 0 : i32
        %dma_wait3A_60 = tpu.memref_slice %arg8[%add3A_25, %dma_wait3A_59] : memref<79x128xi32, #tpu.memory_space<vmem>> -> memref<1x128xi32, #tpu.memory_space<vmem>>
        %dma_wait3A_61 = tpu.memref_squeeze %dma_wait3A_60 : memref<1x128xi32, #tpu.memory_space<vmem>> -> memref<128xi32, #tpu.memory_space<vmem>>
        %dma_wait3A_62 = arith.constant 0 : i32
        %dma_wait3A_63 = arith.constant 0 : i32
        %dma_wait3A_64 = tpu.memref_slice %arg11[%dma_wait3A_62, %dma_wait3A_63] : memref<10112x64xf32, #tpu.memory_space<vmem_shared>> -> memref<10112x64xf32, #tpu.memory_space<vmem_shared>>
        tpu.wait_indirect_dma semaphore(%run_scoped3A_52 : memref<!tpu.dma_semaphore, #tpu.memory_space<semaphore_mem>>) src(%arg10 : memref<128x64xf32, #tpu.memory_space<vmem>>) dst(%dma_wait3A_64 : memref<10112x64xf32, #tpu.memory_space<vmem_shared>>)
        tpu.yield
      }) : () -> ()
    }
    %scan3A_13 = arith.constant 39 : i32
    %dma_wait3A = arith.constant 78 : i32
    %dma_wait3A_14 = arith.constant 0 : i32
    %dma_wait3A_15 = tpu.memref_slice %arg7[%dma_wait3A, %dma_wait3A_14] : memref<79x128xi32, #tpu.memory_space<vmem>> -> memref<1x128xi32, #tpu.memory_space<vmem>>
    %dma_wait3A_16 = tpu.memref_squeeze %dma_wait3A_15 : memref<1x128xi32, #tpu.memory_space<vmem>> -> memref<128xi32, #tpu.memory_space<vmem>>
    %dma_wait3A_17 = arith.constant 0 : i32
    %dma_wait3A_18 = arith.constant 0 : i32
    %dma_wait3A_19 = tpu.memref_slice %arg3[%dma_wait3A_17, %dma_wait3A_18] : memref<10000x64xf32, #tpu.memory_space<hbm>> -> memref<10000x64xf32, #tpu.memory_space<hbm>>
    tpu.wait_indirect_dma semaphore(%arg12 : memref<!tpu.dma_semaphore, #tpu.memory_space<semaphore_mem>>) src(%dma_wait3A_19 : memref<10000x64xf32, #tpu.memory_space<hbm>>) dst(%arg9 : memref<128x64xf32, #tpu.memory_space<vmem>>)
    %run_scoped3A = arith.constant 78 : i32
    "tpu.region"() ({
      %run_scoped3A_21 = tpu.sem_alloc : memref<!tpu.dma_semaphore, #tpu.memory_space<semaphore_mem>>
      %dma_start3A_22 = arith.constant 0 : i32
      %dma_start3A_23 = tpu.memref_slice %arg8[%run_scoped3A, %dma_start3A_22] : memref<79x128xi32, #tpu.memory_space<vmem>> -> memref<1x128xi32, #tpu.memory_space<vmem>>
      %dma_start3A_24 = tpu.memref_squeeze %dma_start3A_23 : memref<1x128xi32, #tpu.memory_space<vmem>> -> memref<128xi32, #tpu.memory_space<vmem>>
      %dma_start3A_25 = arith.constant 0 : i32
      %dma_start3A_26 = arith.constant 0 : i32
      %dma_start3A_27 = tpu.memref_slice %arg11[%dma_start3A_25, %dma_start3A_26] : memref<10112x64xf32, #tpu.memory_space<vmem_shared>> -> memref<10112x64xf32, #tpu.memory_space<vmem_shared>>
      tpu.enqueue_indirect_dma source(%arg9 : memref<128x64xf32, #tpu.memory_space<vmem>>) target(%dma_start3A_27 : memref<10112x64xf32, #tpu.memory_space<vmem_shared>>) offsets(%dma_start3A_24 : memref<128xi32, #tpu.memory_space<vmem>>) semaphore(%run_scoped3A_21 : memref<!tpu.dma_semaphore, #tpu.memory_space<semaphore_mem>>) {add = true}
      %dma_wait3A_28 = arith.constant 0 : i32
      %dma_wait3A_29 = tpu.memref_slice %arg8[%run_scoped3A, %dma_wait3A_28] : memref<79x128xi32, #tpu.memory_space<vmem>> -> memref<1x128xi32, #tpu.memory_space<vmem>>
      %dma_wait3A_30 = tpu.memref_squeeze %dma_wait3A_29 : memref<1x128xi32, #tpu.memory_space<vmem>> -> memref<128xi32, #tpu.memory_space<vmem>>
      %dma_wait3A_31 = arith.constant 0 : i32
      %dma_wait3A_32 = arith.constant 0 : i32
      %dma_wait3A_33 = tpu.memref_slice %arg11[%dma_wait3A_31, %dma_wait3A_32] : memref<10112x64xf32, #tpu.memory_space<vmem_shared>> -> memref<10112x64xf32, #tpu.memory_space<vmem_shared>>
      tpu.wait_indirect_dma semaphore(%run_scoped3A_21 : memref<!tpu.dma_semaphore, #tpu.memory_space<semaphore_mem>>) src(%arg9 : memref<128x64xf32, #tpu.memory_space<vmem>>) dst(%dma_wait3A_33 : memref<10112x64xf32, #tpu.memory_space<vmem_shared>>)
      tpu.yield
    }) : () -> ()
    %barrier3A_20 = arith.constant 0 : index
    tpu.barrier barrier_id(%barrier3A_20)
    "tpu.region"() ({
      %run_scoped3A_21 = tpu.sem_alloc : memref<!tpu.dma_semaphore, #tpu.memory_space<semaphore_mem>>
      %dma_start3A_22 = arith.constant 0 : i32
      %dma_start3A_23 = tpu.memref_slice %arg6[%arg0, %mul3A_2, %dma_start3A_22] : memref<2x10112x64xf32, #tpu.memory_space<hbm>> -> memref<1x632x64xf32, #tpu.memory_space<hbm>>
      %dma_start3A_24 = tpu.memref_squeeze %dma_start3A_23 : memref<1x632x64xf32, #tpu.memory_space<hbm>> -> memref<632x64xf32, #tpu.memory_space<hbm>>
      %dma_start3A_25 = arith.constant 0 : i32
      %dma_start3A_26 = tpu.memref_slice %arg11[%mul3A_2, %dma_start3A_25] : memref<10112x64xf32, #tpu.memory_space<vmem_shared>> -> memref<632x64xf32, #tpu.memory_space<vmem_shared>>
      tpu.enqueue_dma source(%dma_start3A_26 : memref<632x64xf32, #tpu.memory_space<vmem_shared>>) target(%dma_start3A_24 : memref<632x64xf32, #tpu.memory_space<hbm>>) target_semaphore(%run_scoped3A_21 : memref<!tpu.dma_semaphore, #tpu.memory_space<semaphore_mem>>)
      %dma_wait3A_27 = arith.constant 0 : i32
      %dma_wait3A_28 = tpu.memref_slice %arg6[%arg0, %mul3A_2, %dma_wait3A_27] : memref<2x10112x64xf32, #tpu.memory_space<hbm>> -> memref<1x632x64xf32, #tpu.memory_space<hbm>>
      %dma_wait3A_29 = tpu.memref_squeeze %dma_wait3A_28 : memref<1x632x64xf32, #tpu.memory_space<hbm>> -> memref<632x64xf32, #tpu.memory_space<hbm>>
      %dma_wait3A_30 = arith.constant 0 : i32
      %dma_wait3A_31 = tpu.memref_slice %arg11[%mul3A_2, %dma_wait3A_30] : memref<10112x64xf32, #tpu.memory_space<vmem_shared>> -> memref<632x64xf32, #tpu.memory_space<vmem_shared>>
      tpu.wait_dma2 semaphore(%run_scoped3A_21 : memref<!tpu.dma_semaphore, #tpu.memory_space<semaphore_mem>>) src(%dma_wait3A_31 : memref<632x64xf32, #tpu.memory_space<vmem_shared>>) dst(%dma_wait3A_29 : memref<632x64xf32, #tpu.memory_space<hbm>>)
      tpu.yield
    }) : () -> ()
    return
  }
}

#map = affine_map<(d0, d1) -> (0, 0)>
#map1 = affine_map<(d0, d1) -> (0, 0, 0)>
module attributes {stable_mosaic.version = 14 : i64} {
  func.func @deg(%arg0: i32, %arg1: i32, %arg2: memref<10240x16xf32, #tpu.memory_space<hbm>>, %arg3: memref<128x16xf32, #tpu.memory_space<hbm>>, %arg4: memref<32x79x128xi32, #tpu.memory_space<hbm>>, %arg5: memref<2x10240x16xf32, #tpu.memory_space<hbm>>, %arg6: memref<79x128xi32, #tpu.memory_space<vmem>>, %arg7: memref<128x16xf32, #tpu.memory_space<vmem>>, %arg8: memref<10240x16xf32, #tpu.memory_space<vmem_shared>>) attributes {dimension_semantics = [#tpu.dimension_semantics<core_parallel>, #tpu.dimension_semantics<subcore_parallel>], iteration_bounds = array<i64: 2, 16>, scalar_prefetch = 0 : i64, scratch_operands = 3 : i64, tpu.core_type = #tpu.core_type<sc_vector_subcore>, window_params = [{transform_indices = #map}, {transform_indices = #map}, {transform_indices = #map1}, {transform_indices = #map1}]} {
    %mul3A = arith.constant 16 : i32
    %mul3A_0 = arith.muli %arg0, %mul3A : i32
    %add3A = arith.addi %mul3A_0, %arg1 : i32
    %mul3A_1 = arith.constant 640 : i32
    %mul3A_2 = arith.muli %arg1, %mul3A_1 : i32
    "tpu.region"() ({
      %run_scoped3A = tpu.sem_alloc : memref<!tpu.dma_semaphore, #tpu.memory_space<semaphore_mem>>
      %dma_start3A = arith.constant 0 : i32
      %dma_start3A_9 = tpu.memref_slice %arg8[%mul3A_2, %dma_start3A] : memref<10240x16xf32, #tpu.memory_space<vmem_shared>> -> memref<640x16xf32, #tpu.memory_space<vmem_shared>>
      %dma_start3A_10 = arith.constant 0 : i32
      %dma_start3A_11 = tpu.memref_slice %arg2[%mul3A_2, %dma_start3A_10] : memref<10240x16xf32, #tpu.memory_space<hbm>> -> memref<640x16xf32, #tpu.memory_space<hbm>>
      tpu.enqueue_dma source(%dma_start3A_11 : memref<640x16xf32, #tpu.memory_space<hbm>>) target(%dma_start3A_9 : memref<640x16xf32, #tpu.memory_space<vmem_shared>>) target_semaphore(%run_scoped3A : memref<!tpu.dma_semaphore, #tpu.memory_space<semaphore_mem>>)
      %dma_wait3A = arith.constant 0 : i32
      %dma_wait3A_12 = tpu.memref_slice %arg8[%mul3A_2, %dma_wait3A] : memref<10240x16xf32, #tpu.memory_space<vmem_shared>> -> memref<640x16xf32, #tpu.memory_space<vmem_shared>>
      %dma_wait3A_13 = arith.constant 0 : i32
      %dma_wait3A_14 = tpu.memref_slice %arg2[%mul3A_2, %dma_wait3A_13] : memref<10240x16xf32, #tpu.memory_space<hbm>> -> memref<640x16xf32, #tpu.memory_space<hbm>>
      tpu.wait_dma2 semaphore(%run_scoped3A : memref<!tpu.dma_semaphore, #tpu.memory_space<semaphore_mem>>) src(%dma_wait3A_14 : memref<640x16xf32, #tpu.memory_space<hbm>>) dst(%dma_wait3A_12 : memref<640x16xf32, #tpu.memory_space<vmem_shared>>)
      tpu.yield
    }) : () -> ()
    "tpu.region"() ({
      %run_scoped3A = tpu.sem_alloc : memref<!tpu.dma_semaphore, #tpu.memory_space<semaphore_mem>>
      tpu.enqueue_dma source(%arg3 : memref<128x16xf32, #tpu.memory_space<hbm>>) target(%arg7 : memref<128x16xf32, #tpu.memory_space<vmem>>) target_semaphore(%run_scoped3A : memref<!tpu.dma_semaphore, #tpu.memory_space<semaphore_mem>>)
      tpu.wait_dma2 semaphore(%run_scoped3A : memref<!tpu.dma_semaphore, #tpu.memory_space<semaphore_mem>>) src(%arg3 : memref<128x16xf32, #tpu.memory_space<hbm>>) dst(%arg7 : memref<128x16xf32, #tpu.memory_space<vmem>>)
      tpu.yield
    }) : () -> ()
    "tpu.region"() ({
      %run_scoped3A = tpu.sem_alloc : memref<!tpu.dma_semaphore, #tpu.memory_space<semaphore_mem>>
      %dma_start3A = arith.constant 0 : i32
      %dma_start3A_9 = arith.constant 0 : i32
      %dma_start3A_10 = tpu.memref_slice %arg4[%add3A, %dma_start3A, %dma_start3A_9] : memref<32x79x128xi32, #tpu.memory_space<hbm>> -> memref<1x79x128xi32, #tpu.memory_space<hbm>>
      %dma_start3A_11 = tpu.memref_squeeze %dma_start3A_10 : memref<1x79x128xi32, #tpu.memory_space<hbm>> -> memref<79x128xi32, #tpu.memory_space<hbm>>
      %dma_start3A_12 = arith.constant 0 : i32
      %dma_start3A_13 = arith.constant 0 : i32
      %dma_start3A_14 = tpu.memref_slice %arg4[%add3A, %dma_start3A_12, %dma_start3A_13] : memref<32x79x128xi32, #tpu.memory_space<hbm>> -> memref<1x79x128xi32, #tpu.memory_space<hbm>>
      %dma_start3A_15 = tpu.memref_squeeze %dma_start3A_14 : memref<1x79x128xi32, #tpu.memory_space<hbm>> -> memref<79x128xi32, #tpu.memory_space<hbm>>
      tpu.enqueue_dma source(%dma_start3A_15 : memref<79x128xi32, #tpu.memory_space<hbm>>) target(%arg6 : memref<79x128xi32, #tpu.memory_space<vmem>>) target_semaphore(%run_scoped3A : memref<!tpu.dma_semaphore, #tpu.memory_space<semaphore_mem>>)
      %dma_wait3A = arith.constant 0 : i32
      %dma_wait3A_16 = arith.constant 0 : i32
      %dma_wait3A_17 = tpu.memref_slice %arg4[%add3A, %dma_wait3A, %dma_wait3A_16] : memref<32x79x128xi32, #tpu.memory_space<hbm>> -> memref<1x79x128xi32, #tpu.memory_space<hbm>>
      %dma_wait3A_18 = tpu.memref_squeeze %dma_wait3A_17 : memref<1x79x128xi32, #tpu.memory_space<hbm>> -> memref<79x128xi32, #tpu.memory_space<hbm>>
      %dma_wait3A_19 = arith.constant 0 : i32
      %dma_wait3A_20 = arith.constant 0 : i32
      %dma_wait3A_21 = tpu.memref_slice %arg4[%add3A, %dma_wait3A_19, %dma_wait3A_20] : memref<32x79x128xi32, #tpu.memory_space<hbm>> -> memref<1x79x128xi32, #tpu.memory_space<hbm>>
      %dma_wait3A_22 = tpu.memref_squeeze %dma_wait3A_21 : memref<1x79x128xi32, #tpu.memory_space<hbm>> -> memref<79x128xi32, #tpu.memory_space<hbm>>
      tpu.wait_dma2 semaphore(%run_scoped3A : memref<!tpu.dma_semaphore, #tpu.memory_space<semaphore_mem>>) src(%dma_wait3A_22 : memref<79x128xi32, #tpu.memory_space<hbm>>) dst(%arg6 : memref<79x128xi32, #tpu.memory_space<vmem>>)
      tpu.yield
    }) : () -> ()
    %barrier3A = arith.constant 0 : index
    tpu.barrier barrier_id(%barrier3A)
    %scan3A = arith.constant 0 : i32
    %scan3A_3 = arith.constant 0 : i32
    %scan3A_4 = arith.constant 79 : i32
    %scan3A_5 = arith.addi %scan3A_3, %scan3A_4 : i32
    %scan3A_6 = arith.constant 1 : i32
    scf.for %scan3A_9 = %scan3A_3 to %scan3A_5 step %scan3A_6  : i32 {
      "tpu.region"() ({
        %run_scoped3A = tpu.sem_alloc : memref<!tpu.dma_semaphore, #tpu.memory_space<semaphore_mem>>
        %dma_start3A = arith.constant 0 : i32
        %dma_start3A_10 = tpu.memref_slice %arg6[%scan3A_9, %dma_start3A] : memref<79x128xi32, #tpu.memory_space<vmem>> -> memref<1x128xi32, #tpu.memory_space<vmem>>
        %dma_start3A_11 = tpu.memref_squeeze %dma_start3A_10 : memref<1x128xi32, #tpu.memory_space<vmem>> -> memref<128xi32, #tpu.memory_space<vmem>>
        %dma_start3A_12 = arith.constant 0 : i32
        %dma_start3A_13 = arith.constant 0 : i32
        %dma_start3A_14 = tpu.memref_slice %arg8[%dma_start3A_12, %dma_start3A_13] : memref<10240x16xf32, #tpu.memory_space<vmem_shared>> -> memref<10240x16xf32, #tpu.memory_space<vmem_shared>>
        tpu.enqueue_indirect_dma source(%arg7 : memref<128x16xf32, #tpu.memory_space<vmem>>) target(%dma_start3A_14 : memref<10240x16xf32, #tpu.memory_space<vmem_shared>>) offsets(%dma_start3A_11 : memref<128xi32, #tpu.memory_space<vmem>>) semaphore(%run_scoped3A : memref<!tpu.dma_semaphore, #tpu.memory_space<semaphore_mem>>) {add = true}
        %dma_wait3A = arith.constant 0 : i32
        %dma_wait3A_15 = tpu.memref_slice %arg6[%scan3A_9, %dma_wait3A] : memref<79x128xi32, #tpu.memory_space<vmem>> -> memref<1x128xi32, #tpu.memory_space<vmem>>
        %dma_wait3A_16 = tpu.memref_squeeze %dma_wait3A_15 : memref<1x128xi32, #tpu.memory_space<vmem>> -> memref<128xi32, #tpu.memory_space<vmem>>
        %dma_wait3A_17 = arith.constant 0 : i32
        %dma_wait3A_18 = arith.constant 0 : i32
        %dma_wait3A_19 = tpu.memref_slice %arg8[%dma_wait3A_17, %dma_wait3A_18] : memref<10240x16xf32, #tpu.memory_space<vmem_shared>> -> memref<10240x16xf32, #tpu.memory_space<vmem_shared>>
        tpu.wait_indirect_dma semaphore(%run_scoped3A : memref<!tpu.dma_semaphore, #tpu.memory_space<semaphore_mem>>) src(%arg7 : memref<128x16xf32, #tpu.memory_space<vmem>>) dst(%dma_wait3A_19 : memref<10240x16xf32, #tpu.memory_space<vmem_shared>>)
        tpu.yield
      }) : () -> ()
    }
    %scan3A_7 = arith.constant 79 : i32
    %barrier3A_8 = arith.constant 0 : index
    tpu.barrier barrier_id(%barrier3A_8)
    "tpu.region"() ({
      %run_scoped3A = tpu.sem_alloc : memref<!tpu.dma_semaphore, #tpu.memory_space<semaphore_mem>>
      %dma_start3A = arith.constant 0 : i32
      %dma_start3A_9 = tpu.memref_slice %arg5[%arg0, %mul3A_2, %dma_start3A] : memref<2x10240x16xf32, #tpu.memory_space<hbm>> -> memref<1x640x16xf32, #tpu.memory_space<hbm>>
      %dma_start3A_10 = tpu.memref_squeeze %dma_start3A_9 : memref<1x640x16xf32, #tpu.memory_space<hbm>> -> memref<640x16xf32, #tpu.memory_space<hbm>>
      %dma_start3A_11 = arith.constant 0 : i32
      %dma_start3A_12 = tpu.memref_slice %arg8[%mul3A_2, %dma_start3A_11] : memref<10240x16xf32, #tpu.memory_space<vmem_shared>> -> memref<640x16xf32, #tpu.memory_space<vmem_shared>>
      tpu.enqueue_dma source(%dma_start3A_12 : memref<640x16xf32, #tpu.memory_space<vmem_shared>>) target(%dma_start3A_10 : memref<640x16xf32, #tpu.memory_space<hbm>>) target_semaphore(%run_scoped3A : memref<!tpu.dma_semaphore, #tpu.memory_space<semaphore_mem>>)
      %dma_wait3A = arith.constant 0 : i32
      %dma_wait3A_13 = tpu.memref_slice %arg5[%arg0, %mul3A_2, %dma_wait3A] : memref<2x10240x16xf32, #tpu.memory_space<hbm>> -> memref<1x640x16xf32, #tpu.memory_space<hbm>>
      %dma_wait3A_14 = tpu.memref_squeeze %dma_wait3A_13 : memref<1x640x16xf32, #tpu.memory_space<hbm>> -> memref<640x16xf32, #tpu.memory_space<hbm>>
      %dma_wait3A_15 = arith.constant 0 : i32
      %dma_wait3A_16 = tpu.memref_slice %arg8[%mul3A_2, %dma_wait3A_15] : memref<10240x16xf32, #tpu.memory_space<vmem_shared>> -> memref<640x16xf32, #tpu.memory_space<vmem_shared>>
      tpu.wait_dma2 semaphore(%run_scoped3A : memref<!tpu.dma_semaphore, #tpu.memory_space<semaphore_mem>>) src(%dma_wait3A_16 : memref<640x16xf32, #tpu.memory_space<vmem_shared>>) dst(%dma_wait3A_14 : memref<640x16xf32, #tpu.memory_space<hbm>>)
      tpu.yield
    }) : () -> ()
    return
  }
}

#map = affine_map<(d0, d1) -> (0, 0)>
#map1 = affine_map<(d0, d1) -> (0, 0, 0)>
module attributes {stable_mosaic.version = 14 : i64} {
  func.func @agg(%arg0: i32, %arg1: i32, %arg2: memref<10112x64xf32, #tpu.memory_space<hbm>>, %arg3: memref<10000x64xf32, #tpu.memory_space<hbm>>, %arg4: memref<32x79x128xi32, #tpu.memory_space<hbm>>, %arg5: memref<32x79x128xi32, #tpu.memory_space<hbm>>, %arg6: memref<2x10112x64xf32, #tpu.memory_space<hbm>>, %arg7: memref<79x128xi32, #tpu.memory_space<vmem>>, %arg8: memref<79x128xi32, #tpu.memory_space<vmem>>, %arg9: memref<128x64xf32, #tpu.memory_space<vmem>>, %arg10: memref<128x64xf32, #tpu.memory_space<vmem>>, %arg11: memref<10112x64xf32, #tpu.memory_space<vmem_shared>>, %arg12: memref<!tpu.dma_semaphore, #tpu.memory_space<semaphore_mem>>, %arg13: memref<!tpu.dma_semaphore, #tpu.memory_space<semaphore_mem>>) attributes {dimension_semantics = [#tpu.dimension_semantics<core_parallel>, #tpu.dimension_semantics<subcore_parallel>], iteration_bounds = array<i64: 2, 16>, scalar_prefetch = 0 : i64, scratch_operands = 7 : i64, tpu.core_type = #tpu.core_type<sc_vector_subcore>, window_params = [{transform_indices = #map}, {transform_indices = #map}, {transform_indices = #map1}, {transform_indices = #map1}, {transform_indices = #map1}]} {
    %mul3A = arith.constant 16 : i32
    %mul3A_0 = arith.muli %arg0, %mul3A : i32
    %add3A = arith.addi %mul3A_0, %arg1 : i32
    %mul3A_1 = arith.constant 632 : i32
    %mul3A_2 = arith.muli %arg1, %mul3A_1 : i32
    "tpu.region"() ({
      %run_scoped3A_21 = tpu.sem_alloc : memref<!tpu.dma_semaphore, #tpu.memory_space<semaphore_mem>>
      %dma_start3A_22 = arith.constant 0 : i32
      %dma_start3A_23 = tpu.memref_slice %arg11[%mul3A_2, %dma_start3A_22] : memref<10112x64xf32, #tpu.memory_space<vmem_shared>> -> memref<632x64xf32, #tpu.memory_space<vmem_shared>>
      %dma_start3A_24 = arith.constant 0 : i32
      %dma_start3A_25 = tpu.memref_slice %arg2[%mul3A_2, %dma_start3A_24] : memref<10112x64xf32, #tpu.memory_space<hbm>> -> memref<632x64xf32, #tpu.memory_space<hbm>>
      tpu.enqueue_dma source(%dma_start3A_25 : memref<632x64xf32, #tpu.memory_space<hbm>>) target(%dma_start3A_23 : memref<632x64xf32, #tpu.memory_space<vmem_shared>>) target_semaphore(%run_scoped3A_21 : memref<!tpu.dma_semaphore, #tpu.memory_space<semaphore_mem>>)
      %dma_wait3A_26 = arith.constant 0 : i32
      %dma_wait3A_27 = tpu.memref_slice %arg11[%mul3A_2, %dma_wait3A_26] : memref<10112x64xf32, #tpu.memory_space<vmem_shared>> -> memref<632x64xf32, #tpu.memory_space<vmem_shared>>
      %dma_wait3A_28 = arith.constant 0 : i32
      %dma_wait3A_29 = tpu.memref_slice %arg2[%mul3A_2, %dma_wait3A_28] : memref<10112x64xf32, #tpu.memory_space<hbm>> -> memref<632x64xf32, #tpu.memory_space<hbm>>
      tpu.wait_dma2 semaphore(%run_scoped3A_21 : memref<!tpu.dma_semaphore, #tpu.memory_space<semaphore_mem>>) src(%dma_wait3A_29 : memref<632x64xf32, #tpu.memory_space<hbm>>) dst(%dma_wait3A_27 : memref<632x64xf32, #tpu.memory_space<vmem_shared>>)
      tpu.yield
    }) : () -> ()
    "tpu.region"() ({
      %run_scoped3A_21 = tpu.sem_alloc : memref<!tpu.dma_semaphore, #tpu.memory_space<semaphore_mem>>
      %dma_start3A_22 = arith.constant 0 : i32
      %dma_start3A_23 = arith.constant 0 : i32
      %dma_start3A_24 = tpu.memref_slice %arg4[%add3A, %dma_start3A_22, %dma_start3A_23] : memref<32x79x128xi32, #tpu.memory_space<hbm>> -> memref<1x79x128xi32, #tpu.memory_space<hbm>>
      %dma_start3A_25 = tpu.memref_squeeze %dma_start3A_24 : memref<1x79x128xi32, #tpu.memory_space<hbm>> -> memref<79x128xi32, #tpu.memory_space<hbm>>
      %dma_start3A_26 = arith.constant 0 : i32
      %dma_start3A_27 = arith.constant 0 : i32
      %dma_start3A_28 = tpu.memref_slice %arg4[%add3A, %dma_start3A_26, %dma_start3A_27] : memref<32x79x128xi32, #tpu.memory_space<hbm>> -> memref<1x79x128xi32, #tpu.memory_space<hbm>>
      %dma_start3A_29 = tpu.memref_squeeze %dma_start3A_28 : memref<1x79x128xi32, #tpu.memory_space<hbm>> -> memref<79x128xi32, #tpu.memory_space<hbm>>
      tpu.enqueue_dma source(%dma_start3A_29 : memref<79x128xi32, #tpu.memory_space<hbm>>) target(%arg7 : memref<79x128xi32, #tpu.memory_space<vmem>>) target_semaphore(%run_scoped3A_21 : memref<!tpu.dma_semaphore, #tpu.memory_space<semaphore_mem>>)
      %dma_wait3A_30 = arith.constant 0 : i32
      %dma_wait3A_31 = arith.constant 0 : i32
      %dma_wait3A_32 = tpu.memref_slice %arg4[%add3A, %dma_wait3A_30, %dma_wait3A_31] : memref<32x79x128xi32, #tpu.memory_space<hbm>> -> memref<1x79x128xi32, #tpu.memory_space<hbm>>
      %dma_wait3A_33 = tpu.memref_squeeze %dma_wait3A_32 : memref<1x79x128xi32, #tpu.memory_space<hbm>> -> memref<79x128xi32, #tpu.memory_space<hbm>>
      %dma_wait3A_34 = arith.constant 0 : i32
      %dma_wait3A_35 = arith.constant 0 : i32
      %dma_wait3A_36 = tpu.memref_slice %arg4[%add3A, %dma_wait3A_34, %dma_wait3A_35] : memref<32x79x128xi32, #tpu.memory_space<hbm>> -> memref<1x79x128xi32, #tpu.memory_space<hbm>>
      %dma_wait3A_37 = tpu.memref_squeeze %dma_wait3A_36 : memref<1x79x128xi32, #tpu.memory_space<hbm>> -> memref<79x128xi32, #tpu.memory_space<hbm>>
      tpu.wait_dma2 semaphore(%run_scoped3A_21 : memref<!tpu.dma_semaphore, #tpu.memory_space<semaphore_mem>>) src(%dma_wait3A_37 : memref<79x128xi32, #tpu.memory_space<hbm>>) dst(%arg7 : memref<79x128xi32, #tpu.memory_space<vmem>>)
      tpu.yield
    }) : () -> ()
    "tpu.region"() ({
      %run_scoped3A_21 = tpu.sem_alloc : memref<!tpu.dma_semaphore, #tpu.memory_space<semaphore_mem>>
      %dma_start3A_22 = arith.constant 0 : i32
      %dma_start3A_23 = arith.constant 0 : i32
      %dma_start3A_24 = tpu.memref_slice %arg5[%add3A, %dma_start3A_22, %dma_start3A_23] : memref<32x79x128xi32, #tpu.memory_space<hbm>> -> memref<1x79x128xi32, #tpu.memory_space<hbm>>
      %dma_start3A_25 = tpu.memref_squeeze %dma_start3A_24 : memref<1x79x128xi32, #tpu.memory_space<hbm>> -> memref<79x128xi32, #tpu.memory_space<hbm>>
      %dma_start3A_26 = arith.constant 0 : i32
      %dma_start3A_27 = arith.constant 0 : i32
      %dma_start3A_28 = tpu.memref_slice %arg5[%add3A, %dma_start3A_26, %dma_start3A_27] : memref<32x79x128xi32, #tpu.memory_space<hbm>> -> memref<1x79x128xi32, #tpu.memory_space<hbm>>
      %dma_start3A_29 = tpu.memref_squeeze %dma_start3A_28 : memref<1x79x128xi32, #tpu.memory_space<hbm>> -> memref<79x128xi32, #tpu.memory_space<hbm>>
      tpu.enqueue_dma source(%dma_start3A_29 : memref<79x128xi32, #tpu.memory_space<hbm>>) target(%arg8 : memref<79x128xi32, #tpu.memory_space<vmem>>) target_semaphore(%run_scoped3A_21 : memref<!tpu.dma_semaphore, #tpu.memory_space<semaphore_mem>>)
      %dma_wait3A_30 = arith.constant 0 : i32
      %dma_wait3A_31 = arith.constant 0 : i32
      %dma_wait3A_32 = tpu.memref_slice %arg5[%add3A, %dma_wait3A_30, %dma_wait3A_31] : memref<32x79x128xi32, #tpu.memory_space<hbm>> -> memref<1x79x128xi32, #tpu.memory_space<hbm>>
      %dma_wait3A_33 = tpu.memref_squeeze %dma_wait3A_32 : memref<1x79x128xi32, #tpu.memory_space<hbm>> -> memref<79x128xi32, #tpu.memory_space<hbm>>
      %dma_wait3A_34 = arith.constant 0 : i32
      %dma_wait3A_35 = arith.constant 0 : i32
      %dma_wait3A_36 = tpu.memref_slice %arg5[%add3A, %dma_wait3A_34, %dma_wait3A_35] : memref<32x79x128xi32, #tpu.memory_space<hbm>> -> memref<1x79x128xi32, #tpu.memory_space<hbm>>
      %dma_wait3A_37 = tpu.memref_squeeze %dma_wait3A_36 : memref<1x79x128xi32, #tpu.memory_space<hbm>> -> memref<79x128xi32, #tpu.memory_space<hbm>>
      tpu.wait_dma2 semaphore(%run_scoped3A_21 : memref<!tpu.dma_semaphore, #tpu.memory_space<semaphore_mem>>) src(%dma_wait3A_37 : memref<79x128xi32, #tpu.memory_space<hbm>>) dst(%arg8 : memref<79x128xi32, #tpu.memory_space<vmem>>)
      tpu.yield
    }) : () -> ()
    %barrier3A = arith.constant 0 : index
    tpu.barrier barrier_id(%barrier3A)
    %dma_start3A = arith.constant 0 : i32
    %dma_start3A_3 = arith.constant 0 : i32
    %dma_start3A_4 = tpu.memref_slice %arg7[%dma_start3A, %dma_start3A_3] : memref<79x128xi32, #tpu.memory_space<vmem>> -> memref<1x128xi32, #tpu.memory_space<vmem>>
    %dma_start3A_5 = tpu.memref_squeeze %dma_start3A_4 : memref<1x128xi32, #tpu.memory_space<vmem>> -> memref<128xi32, #tpu.memory_space<vmem>>
    %dma_start3A_6 = arith.constant 0 : i32
    %dma_start3A_7 = arith.constant 0 : i32
    %dma_start3A_8 = tpu.memref_slice %arg3[%dma_start3A_6, %dma_start3A_7] : memref<10000x64xf32, #tpu.memory_space<hbm>> -> memref<10000x64xf32, #tpu.memory_space<hbm>>
    tpu.enqueue_indirect_dma source(%dma_start3A_8 : memref<10000x64xf32, #tpu.memory_space<hbm>>) target(%arg9 : memref<128x64xf32, #tpu.memory_space<vmem>>) offsets(%dma_start3A_5 : memref<128xi32, #tpu.memory_space<vmem>>) semaphore(%arg12 : memref<!tpu.dma_semaphore, #tpu.memory_space<semaphore_mem>>)
    %scan3A = arith.constant 0 : i32
    %scan3A_9 = arith.constant 0 : i32
    %scan3A_10 = arith.constant 39 : i32
    %scan3A_11 = arith.addi %scan3A_9, %scan3A_10 : i32
    %scan3A_12 = arith.constant 1 : i32
    scf.for %scan3A_21 = %scan3A_9 to %scan3A_11 step %scan3A_12  : i32 {
      %mul3A_22 = arith.constant 2 : i32
      %mul3A_23 = arith.muli %mul3A_22, %scan3A_21 : i32
      %add3A_24 = arith.constant 1 : i32
      %add3A_25 = arith.addi %mul3A_23, %add3A_24 : i32
      %dma_start3A_26 = arith.constant 0 : i32
      %dma_start3A_27 = tpu.memref_slice %arg7[%add3A_25, %dma_start3A_26] : memref<79x128xi32, #tpu.memory_space<vmem>> -> memref<1x128xi32, #tpu.memory_space<vmem>>
      %dma_start3A_28 = tpu.memref_squeeze %dma_start3A_27 : memref<1x128xi32, #tpu.memory_space<vmem>> -> memref<128xi32, #tpu.memory_space<vmem>>
      %dma_start3A_29 = arith.constant 0 : i32
      %dma_start3A_30 = arith.constant 0 : i32
      %dma_start3A_31 = tpu.memref_slice %arg3[%dma_start3A_29, %dma_start3A_30] : memref<10000x64xf32, #tpu.memory_space<hbm>> -> memref<10000x64xf32, #tpu.memory_space<hbm>>
      tpu.enqueue_indirect_dma source(%dma_start3A_31 : memref<10000x64xf32, #tpu.memory_space<hbm>>) target(%arg10 : memref<128x64xf32, #tpu.memory_space<vmem>>) offsets(%dma_start3A_28 : memref<128xi32, #tpu.memory_space<vmem>>) semaphore(%arg13 : memref<!tpu.dma_semaphore, #tpu.memory_space<semaphore_mem>>)
      %dma_wait3A_32 = arith.constant 0 : i32
      %dma_wait3A_33 = tpu.memref_slice %arg7[%mul3A_23, %dma_wait3A_32] : memref<79x128xi32, #tpu.memory_space<vmem>> -> memref<1x128xi32, #tpu.memory_space<vmem>>
      %dma_wait3A_34 = tpu.memref_squeeze %dma_wait3A_33 : memref<1x128xi32, #tpu.memory_space<vmem>> -> memref<128xi32, #tpu.memory_space<vmem>>
      %dma_wait3A_35 = arith.constant 0 : i32
      %dma_wait3A_36 = arith.constant 0 : i32
      %dma_wait3A_37 = tpu.memref_slice %arg3[%dma_wait3A_35, %dma_wait3A_36] : memref<10000x64xf32, #tpu.memory_space<hbm>> -> memref<10000x64xf32, #tpu.memory_space<hbm>>
      tpu.wait_indirect_dma semaphore(%arg12 : memref<!tpu.dma_semaphore, #tpu.memory_space<semaphore_mem>>) src(%dma_wait3A_37 : memref<10000x64xf32, #tpu.memory_space<hbm>>) dst(%arg9 : memref<128x64xf32, #tpu.memory_space<vmem>>)
      "tpu.region"() ({
        %run_scoped3A_52 = tpu.sem_alloc : memref<!tpu.dma_semaphore, #tpu.memory_space<semaphore_mem>>
        %dma_start3A_53 = arith.constant 0 : i32
        %dma_start3A_54 = tpu.memref_slice %arg8[%mul3A_23, %dma_start3A_53] : memref<79x128xi32, #tpu.memory_space<vmem>> -> memref<1x128xi32, #tpu.memory_space<vmem>>
        %dma_start3A_55 = tpu.memref_squeeze %dma_start3A_54 : memref<1x128xi32, #tpu.memory_space<vmem>> -> memref<128xi32, #tpu.memory_space<vmem>>
        %dma_start3A_56 = arith.constant 0 : i32
        %dma_start3A_57 = arith.constant 0 : i32
        %dma_start3A_58 = tpu.memref_slice %arg11[%dma_start3A_56, %dma_start3A_57] : memref<10112x64xf32, #tpu.memory_space<vmem_shared>> -> memref<10112x64xf32, #tpu.memory_space<vmem_shared>>
        tpu.enqueue_indirect_dma source(%arg9 : memref<128x64xf32, #tpu.memory_space<vmem>>) target(%dma_start3A_58 : memref<10112x64xf32, #tpu.memory_space<vmem_shared>>) offsets(%dma_start3A_55 : memref<128xi32, #tpu.memory_space<vmem>>) semaphore(%run_scoped3A_52 : memref<!tpu.dma_semaphore, #tpu.memory_space<semaphore_mem>>) {add = true}
        %dma_wait3A_59 = arith.constant 0 : i32
        %dma_wait3A_60 = tpu.memref_slice %arg8[%mul3A_23, %dma_wait3A_59] : memref<79x128xi32, #tpu.memory_space<vmem>> -> memref<1x128xi32, #tpu.memory_space<vmem>>
        %dma_wait3A_61 = tpu.memref_squeeze %dma_wait3A_60 : memref<1x128xi32, #tpu.memory_space<vmem>> -> memref<128xi32, #tpu.memory_space<vmem>>
        %dma_wait3A_62 = arith.constant 0 : i32
        %dma_wait3A_63 = arith.constant 0 : i32
        %dma_wait3A_64 = tpu.memref_slice %arg11[%dma_wait3A_62, %dma_wait3A_63] : memref<10112x64xf32, #tpu.memory_space<vmem_shared>> -> memref<10112x64xf32, #tpu.memory_space<vmem_shared>>
        tpu.wait_indirect_dma semaphore(%run_scoped3A_52 : memref<!tpu.dma_semaphore, #tpu.memory_space<semaphore_mem>>) src(%arg9 : memref<128x64xf32, #tpu.memory_space<vmem>>) dst(%dma_wait3A_64 : memref<10112x64xf32, #tpu.memory_space<vmem_shared>>)
        tpu.yield
      }) : () -> ()
      %add3A_38 = arith.constant 2 : i32
      %add3A_39 = arith.addi %mul3A_23, %add3A_38 : i32
      %dma_start3A_40 = arith.constant 0 : i32
      %dma_start3A_41 = tpu.memref_slice %arg7[%add3A_39, %dma_start3A_40] : memref<79x128xi32, #tpu.memory_space<vmem>> -> memref<1x128xi32, #tpu.memory_space<vmem>>
      %dma_start3A_42 = tpu.memref_squeeze %dma_start3A_41 : memref<1x128xi32, #tpu.memory_space<vmem>> -> memref<128xi32, #tpu.memory_space<vmem>>
      %dma_start3A_43 = arith.constant 0 : i32
      %dma_start3A_44 = arith.constant 0 : i32
      %dma_start3A_45 = tpu.memref_slice %arg3[%dma_start3A_43, %dma_start3A_44] : memref<10000x64xf32, #tpu.memory_space<hbm>> -> memref<10000x64xf32, #tpu.memory_space<hbm>>
      tpu.enqueue_indirect_dma source(%dma_start3A_45 : memref<10000x64xf32, #tpu.memory_space<hbm>>) target(%arg9 : memref<128x64xf32, #tpu.memory_space<vmem>>) offsets(%dma_start3A_42 : memref<128xi32, #tpu.memory_space<vmem>>) semaphore(%arg12 : memref<!tpu.dma_semaphore, #tpu.memory_space<semaphore_mem>>)
      %dma_wait3A_46 = arith.constant 0 : i32
      %dma_wait3A_47 = tpu.memref_slice %arg7[%add3A_25, %dma_wait3A_46] : memref<79x128xi32, #tpu.memory_space<vmem>> -> memref<1x128xi32, #tpu.memory_space<vmem>>
      %dma_wait3A_48 = tpu.memref_squeeze %dma_wait3A_47 : memref<1x128xi32, #tpu.memory_space<vmem>> -> memref<128xi32, #tpu.memory_space<vmem>>
      %dma_wait3A_49 = arith.constant 0 : i32
      %dma_wait3A_50 = arith.constant 0 : i32
      %dma_wait3A_51 = tpu.memref_slice %arg3[%dma_wait3A_49, %dma_wait3A_50] : memref<10000x64xf32, #tpu.memory_space<hbm>> -> memref<10000x64xf32, #tpu.memory_space<hbm>>
      tpu.wait_indirect_dma semaphore(%arg13 : memref<!tpu.dma_semaphore, #tpu.memory_space<semaphore_mem>>) src(%dma_wait3A_51 : memref<10000x64xf32, #tpu.memory_space<hbm>>) dst(%arg10 : memref<128x64xf32, #tpu.memory_space<vmem>>)
      "tpu.region"() ({
        %run_scoped3A_52 = tpu.sem_alloc : memref<!tpu.dma_semaphore, #tpu.memory_space<semaphore_mem>>
        %dma_start3A_53 = arith.constant 0 : i32
        %dma_start3A_54 = tpu.memref_slice %arg8[%add3A_25, %dma_start3A_53] : memref<79x128xi32, #tpu.memory_space<vmem>> -> memref<1x128xi32, #tpu.memory_space<vmem>>
        %dma_start3A_55 = tpu.memref_squeeze %dma_start3A_54 : memref<1x128xi32, #tpu.memory_space<vmem>> -> memref<128xi32, #tpu.memory_space<vmem>>
        %dma_start3A_56 = arith.constant 0 : i32
        %dma_start3A_57 = arith.constant 0 : i32
        %dma_start3A_58 = tpu.memref_slice %arg11[%dma_start3A_56, %dma_start3A_57] : memref<10112x64xf32, #tpu.memory_space<vmem_shared>> -> memref<10112x64xf32, #tpu.memory_space<vmem_shared>>
        tpu.enqueue_indirect_dma source(%arg10 : memref<128x64xf32, #tpu.memory_space<vmem>>) target(%dma_start3A_58 : memref<10112x64xf32, #tpu.memory_space<vmem_shared>>) offsets(%dma_start3A_55 : memref<128xi32, #tpu.memory_space<vmem>>) semaphore(%run_scoped3A_52 : memref<!tpu.dma_semaphore, #tpu.memory_space<semaphore_mem>>) {add = true}
        %dma_wait3A_59 = arith.constant 0 : i32
        %dma_wait3A_60 = tpu.memref_slice %arg8[%add3A_25, %dma_wait3A_59] : memref<79x128xi32, #tpu.memory_space<vmem>> -> memref<1x128xi32, #tpu.memory_space<vmem>>
        %dma_wait3A_61 = tpu.memref_squeeze %dma_wait3A_60 : memref<1x128xi32, #tpu.memory_space<vmem>> -> memref<128xi32, #tpu.memory_space<vmem>>
        %dma_wait3A_62 = arith.constant 0 : i32
        %dma_wait3A_63 = arith.constant 0 : i32
        %dma_wait3A_64 = tpu.memref_slice %arg11[%dma_wait3A_62, %dma_wait3A_63] : memref<10112x64xf32, #tpu.memory_space<vmem_shared>> -> memref<10112x64xf32, #tpu.memory_space<vmem_shared>>
        tpu.wait_indirect_dma semaphore(%run_scoped3A_52 : memref<!tpu.dma_semaphore, #tpu.memory_space<semaphore_mem>>) src(%arg10 : memref<128x64xf32, #tpu.memory_space<vmem>>) dst(%dma_wait3A_64 : memref<10112x64xf32, #tpu.memory_space<vmem_shared>>)
        tpu.yield
      }) : () -> ()
    }
    %scan3A_13 = arith.constant 39 : i32
    %dma_wait3A = arith.constant 78 : i32
    %dma_wait3A_14 = arith.constant 0 : i32
    %dma_wait3A_15 = tpu.memref_slice %arg7[%dma_wait3A, %dma_wait3A_14] : memref<79x128xi32, #tpu.memory_space<vmem>> -> memref<1x128xi32, #tpu.memory_space<vmem>>
    %dma_wait3A_16 = tpu.memref_squeeze %dma_wait3A_15 : memref<1x128xi32, #tpu.memory_space<vmem>> -> memref<128xi32, #tpu.memory_space<vmem>>
    %dma_wait3A_17 = arith.constant 0 : i32
    %dma_wait3A_18 = arith.constant 0 : i32
    %dma_wait3A_19 = tpu.memref_slice %arg3[%dma_wait3A_17, %dma_wait3A_18] : memref<10000x64xf32, #tpu.memory_space<hbm>> -> memref<10000x64xf32, #tpu.memory_space<hbm>>
    tpu.wait_indirect_dma semaphore(%arg12 : memref<!tpu.dma_semaphore, #tpu.memory_space<semaphore_mem>>) src(%dma_wait3A_19 : memref<10000x64xf32, #tpu.memory_space<hbm>>) dst(%arg9 : memref<128x64xf32, #tpu.memory_space<vmem>>)
    %run_scoped3A = arith.constant 78 : i32
    "tpu.region"() ({
      %run_scoped3A_21 = tpu.sem_alloc : memref<!tpu.dma_semaphore, #tpu.memory_space<semaphore_mem>>
      %dma_start3A_22 = arith.constant 0 : i32
      %dma_start3A_23 = tpu.memref_slice %arg8[%run_scoped3A, %dma_start3A_22] : memref<79x128xi32, #tpu.memory_space<vmem>> -> memref<1x128xi32, #tpu.memory_space<vmem>>
      %dma_start3A_24 = tpu.memref_squeeze %dma_start3A_23 : memref<1x128xi32, #tpu.memory_space<vmem>> -> memref<128xi32, #tpu.memory_space<vmem>>
      %dma_start3A_25 = arith.constant 0 : i32
      %dma_start3A_26 = arith.constant 0 : i32
      %dma_start3A_27 = tpu.memref_slice %arg11[%dma_start3A_25, %dma_start3A_26] : memref<10112x64xf32, #tpu.memory_space<vmem_shared>> -> memref<10112x64xf32, #tpu.memory_space<vmem_shared>>
      tpu.enqueue_indirect_dma source(%arg9 : memref<128x64xf32, #tpu.memory_space<vmem>>) target(%dma_start3A_27 : memref<10112x64xf32, #tpu.memory_space<vmem_shared>>) offsets(%dma_start3A_24 : memref<128xi32, #tpu.memory_space<vmem>>) semaphore(%run_scoped3A_21 : memref<!tpu.dma_semaphore, #tpu.memory_space<semaphore_mem>>) {add = true}
      %dma_wait3A_28 = arith.constant 0 : i32
      %dma_wait3A_29 = tpu.memref_slice %arg8[%run_scoped3A, %dma_wait3A_28] : memref<79x128xi32, #tpu.memory_space<vmem>> -> memref<1x128xi32, #tpu.memory_space<vmem>>
      %dma_wait3A_30 = tpu.memref_squeeze %dma_wait3A_29 : memref<1x128xi32, #tpu.memory_space<vmem>> -> memref<128xi32, #tpu.memory_space<vmem>>
      %dma_wait3A_31 = arith.constant 0 : i32
      %dma_wait3A_32 = arith.constant 0 : i32
      %dma_wait3A_33 = tpu.memref_slice %arg11[%dma_wait3A_31, %dma_wait3A_32] : memref<10112x64xf32, #tpu.memory_space<vmem_shared>> -> memref<10112x64xf32, #tpu.memory_space<vmem_shared>>
      tpu.wait_indirect_dma semaphore(%run_scoped3A_21 : memref<!tpu.dma_semaphore, #tpu.memory_space<semaphore_mem>>) src(%arg9 : memref<128x64xf32, #tpu.memory_space<vmem>>) dst(%dma_wait3A_33 : memref<10112x64xf32, #tpu.memory_space<vmem_shared>>)
      tpu.yield
    }) : () -> ()
    %barrier3A_20 = arith.constant 0 : index
    tpu.barrier barrier_id(%barrier3A_20)
    "tpu.region"() ({
      %run_scoped3A_21 = tpu.sem_alloc : memref<!tpu.dma_semaphore, #tpu.memory_space<semaphore_mem>>
      %dma_start3A_22 = arith.constant 0 : i32
      %dma_start3A_23 = tpu.memref_slice %arg6[%arg0, %mul3A_2, %dma_start3A_22] : memref<2x10112x64xf32, #tpu.memory_space<hbm>> -> memref<1x632x64xf32, #tpu.memory_space<hbm>>
      %dma_start3A_24 = tpu.memref_squeeze %dma_start3A_23 : memref<1x632x64xf32, #tpu.memory_space<hbm>> -> memref<632x64xf32, #tpu.memory_space<hbm>>
      %dma_start3A_25 = arith.constant 0 : i32
      %dma_start3A_26 = tpu.memref_slice %arg11[%mul3A_2, %dma_start3A_25] : memref<10112x64xf32, #tpu.memory_space<vmem_shared>> -> memref<632x64xf32, #tpu.memory_space<vmem_shared>>
      tpu.enqueue_dma source(%dma_start3A_26 : memref<632x64xf32, #tpu.memory_space<vmem_shared>>) target(%dma_start3A_24 : memref<632x64xf32, #tpu.memory_space<hbm>>) target_semaphore(%run_scoped3A_21 : memref<!tpu.dma_semaphore, #tpu.memory_space<semaphore_mem>>)
      %dma_wait3A_27 = arith.constant 0 : i32
      %dma_wait3A_28 = tpu.memref_slice %arg6[%arg0, %mul3A_2, %dma_wait3A_27] : memref<2x10112x64xf32, #tpu.memory_space<hbm>> -> memref<1x632x64xf32, #tpu.memory_space<hbm>>
      %dma_wait3A_29 = tpu.memref_squeeze %dma_wait3A_28 : memref<1x632x64xf32, #tpu.memory_space<hbm>> -> memref<632x64xf32, #tpu.memory_space<hbm>>
      %dma_wait3A_30 = arith.constant 0 : i32
      %dma_wait3A_31 = tpu.memref_slice %arg11[%mul3A_2, %dma_wait3A_30] : memref<10112x64xf32, #tpu.memory_space<vmem_shared>> -> memref<632x64xf32, #tpu.memory_space<vmem_shared>>
      tpu.wait_dma2 semaphore(%run_scoped3A_21 : memref<!tpu.dma_semaphore, #tpu.memory_space<semaphore_mem>>) src(%dma_wait3A_31 : memref<632x64xf32, #tpu.memory_space<vmem_shared>>) dst(%dma_wait3A_29 : memref<632x64xf32, #tpu.memory_space<hbm>>)
      tpu.yield
    }) : () -> ()
    return
  }
}

#map = affine_map<(d0, d1) -> (0, 0)>
#map1 = affine_map<(d0, d1) -> (0, 0, 0)>
module attributes {stable_mosaic.version = 14 : i64} {
  func.func @agg(%arg0: i32, %arg1: i32, %arg2: memref<10112x64xf32, #tpu.memory_space<hbm>>, %arg3: memref<10000x64xf32, #tpu.memory_space<hbm>>, %arg4: memref<32x79x128xi32, #tpu.memory_space<hbm>>, %arg5: memref<32x79x128xi32, #tpu.memory_space<hbm>>, %arg6: memref<2x10112x64xf32, #tpu.memory_space<hbm>>, %arg7: memref<79x128xi32, #tpu.memory_space<vmem>>, %arg8: memref<79x128xi32, #tpu.memory_space<vmem>>, %arg9: memref<128x64xf32, #tpu.memory_space<vmem>>, %arg10: memref<128x64xf32, #tpu.memory_space<vmem>>, %arg11: memref<10112x64xf32, #tpu.memory_space<vmem_shared>>, %arg12: memref<!tpu.dma_semaphore, #tpu.memory_space<semaphore_mem>>, %arg13: memref<!tpu.dma_semaphore, #tpu.memory_space<semaphore_mem>>) attributes {dimension_semantics = [#tpu.dimension_semantics<core_parallel>, #tpu.dimension_semantics<subcore_parallel>], iteration_bounds = array<i64: 2, 16>, scalar_prefetch = 0 : i64, scratch_operands = 7 : i64, tpu.core_type = #tpu.core_type<sc_vector_subcore>, window_params = [{transform_indices = #map}, {transform_indices = #map}, {transform_indices = #map1}, {transform_indices = #map1}, {transform_indices = #map1}]} {
    %mul3A = arith.constant 16 : i32
    %mul3A_0 = arith.muli %arg0, %mul3A : i32
    %add3A = arith.addi %mul3A_0, %arg1 : i32
    %mul3A_1 = arith.constant 632 : i32
    %mul3A_2 = arith.muli %arg1, %mul3A_1 : i32
    "tpu.region"() ({
      %run_scoped3A_21 = tpu.sem_alloc : memref<!tpu.dma_semaphore, #tpu.memory_space<semaphore_mem>>
      %dma_start3A_22 = arith.constant 0 : i32
      %dma_start3A_23 = tpu.memref_slice %arg11[%mul3A_2, %dma_start3A_22] : memref<10112x64xf32, #tpu.memory_space<vmem_shared>> -> memref<632x64xf32, #tpu.memory_space<vmem_shared>>
      %dma_start3A_24 = arith.constant 0 : i32
      %dma_start3A_25 = tpu.memref_slice %arg2[%mul3A_2, %dma_start3A_24] : memref<10112x64xf32, #tpu.memory_space<hbm>> -> memref<632x64xf32, #tpu.memory_space<hbm>>
      tpu.enqueue_dma source(%dma_start3A_25 : memref<632x64xf32, #tpu.memory_space<hbm>>) target(%dma_start3A_23 : memref<632x64xf32, #tpu.memory_space<vmem_shared>>) target_semaphore(%run_scoped3A_21 : memref<!tpu.dma_semaphore, #tpu.memory_space<semaphore_mem>>)
      %dma_wait3A_26 = arith.constant 0 : i32
      %dma_wait3A_27 = tpu.memref_slice %arg11[%mul3A_2, %dma_wait3A_26] : memref<10112x64xf32, #tpu.memory_space<vmem_shared>> -> memref<632x64xf32, #tpu.memory_space<vmem_shared>>
      %dma_wait3A_28 = arith.constant 0 : i32
      %dma_wait3A_29 = tpu.memref_slice %arg2[%mul3A_2, %dma_wait3A_28] : memref<10112x64xf32, #tpu.memory_space<hbm>> -> memref<632x64xf32, #tpu.memory_space<hbm>>
      tpu.wait_dma2 semaphore(%run_scoped3A_21 : memref<!tpu.dma_semaphore, #tpu.memory_space<semaphore_mem>>) src(%dma_wait3A_29 : memref<632x64xf32, #tpu.memory_space<hbm>>) dst(%dma_wait3A_27 : memref<632x64xf32, #tpu.memory_space<vmem_shared>>)
      tpu.yield
    }) : () -> ()
    "tpu.region"() ({
      %run_scoped3A_21 = tpu.sem_alloc : memref<!tpu.dma_semaphore, #tpu.memory_space<semaphore_mem>>
      %dma_start3A_22 = arith.constant 0 : i32
      %dma_start3A_23 = arith.constant 0 : i32
      %dma_start3A_24 = tpu.memref_slice %arg4[%add3A, %dma_start3A_22, %dma_start3A_23] : memref<32x79x128xi32, #tpu.memory_space<hbm>> -> memref<1x79x128xi32, #tpu.memory_space<hbm>>
      %dma_start3A_25 = tpu.memref_squeeze %dma_start3A_24 : memref<1x79x128xi32, #tpu.memory_space<hbm>> -> memref<79x128xi32, #tpu.memory_space<hbm>>
      %dma_start3A_26 = arith.constant 0 : i32
      %dma_start3A_27 = arith.constant 0 : i32
      %dma_start3A_28 = tpu.memref_slice %arg4[%add3A, %dma_start3A_26, %dma_start3A_27] : memref<32x79x128xi32, #tpu.memory_space<hbm>> -> memref<1x79x128xi32, #tpu.memory_space<hbm>>
      %dma_start3A_29 = tpu.memref_squeeze %dma_start3A_28 : memref<1x79x128xi32, #tpu.memory_space<hbm>> -> memref<79x128xi32, #tpu.memory_space<hbm>>
      tpu.enqueue_dma source(%dma_start3A_29 : memref<79x128xi32, #tpu.memory_space<hbm>>) target(%arg7 : memref<79x128xi32, #tpu.memory_space<vmem>>) target_semaphore(%run_scoped3A_21 : memref<!tpu.dma_semaphore, #tpu.memory_space<semaphore_mem>>)
      %dma_wait3A_30 = arith.constant 0 : i32
      %dma_wait3A_31 = arith.constant 0 : i32
      %dma_wait3A_32 = tpu.memref_slice %arg4[%add3A, %dma_wait3A_30, %dma_wait3A_31] : memref<32x79x128xi32, #tpu.memory_space<hbm>> -> memref<1x79x128xi32, #tpu.memory_space<hbm>>
      %dma_wait3A_33 = tpu.memref_squeeze %dma_wait3A_32 : memref<1x79x128xi32, #tpu.memory_space<hbm>> -> memref<79x128xi32, #tpu.memory_space<hbm>>
      %dma_wait3A_34 = arith.constant 0 : i32
      %dma_wait3A_35 = arith.constant 0 : i32
      %dma_wait3A_36 = tpu.memref_slice %arg4[%add3A, %dma_wait3A_34, %dma_wait3A_35] : memref<32x79x128xi32, #tpu.memory_space<hbm>> -> memref<1x79x128xi32, #tpu.memory_space<hbm>>
      %dma_wait3A_37 = tpu.memref_squeeze %dma_wait3A_36 : memref<1x79x128xi32, #tpu.memory_space<hbm>> -> memref<79x128xi32, #tpu.memory_space<hbm>>
      tpu.wait_dma2 semaphore(%run_scoped3A_21 : memref<!tpu.dma_semaphore, #tpu.memory_space<semaphore_mem>>) src(%dma_wait3A_37 : memref<79x128xi32, #tpu.memory_space<hbm>>) dst(%arg7 : memref<79x128xi32, #tpu.memory_space<vmem>>)
      tpu.yield
    }) : () -> ()
    "tpu.region"() ({
      %run_scoped3A_21 = tpu.sem_alloc : memref<!tpu.dma_semaphore, #tpu.memory_space<semaphore_mem>>
      %dma_start3A_22 = arith.constant 0 : i32
      %dma_start3A_23 = arith.constant 0 : i32
      %dma_start3A_24 = tpu.memref_slice %arg5[%add3A, %dma_start3A_22, %dma_start3A_23] : memref<32x79x128xi32, #tpu.memory_space<hbm>> -> memref<1x79x128xi32, #tpu.memory_space<hbm>>
      %dma_start3A_25 = tpu.memref_squeeze %dma_start3A_24 : memref<1x79x128xi32, #tpu.memory_space<hbm>> -> memref<79x128xi32, #tpu.memory_space<hbm>>
      %dma_start3A_26 = arith.constant 0 : i32
      %dma_start3A_27 = arith.constant 0 : i32
      %dma_start3A_28 = tpu.memref_slice %arg5[%add3A, %dma_start3A_26, %dma_start3A_27] : memref<32x79x128xi32, #tpu.memory_space<hbm>> -> memref<1x79x128xi32, #tpu.memory_space<hbm>>
      %dma_start3A_29 = tpu.memref_squeeze %dma_start3A_28 : memref<1x79x128xi32, #tpu.memory_space<hbm>> -> memref<79x128xi32, #tpu.memory_space<hbm>>
      tpu.enqueue_dma source(%dma_start3A_29 : memref<79x128xi32, #tpu.memory_space<hbm>>) target(%arg8 : memref<79x128xi32, #tpu.memory_space<vmem>>) target_semaphore(%run_scoped3A_21 : memref<!tpu.dma_semaphore, #tpu.memory_space<semaphore_mem>>)
      %dma_wait3A_30 = arith.constant 0 : i32
      %dma_wait3A_31 = arith.constant 0 : i32
      %dma_wait3A_32 = tpu.memref_slice %arg5[%add3A, %dma_wait3A_30, %dma_wait3A_31] : memref<32x79x128xi32, #tpu.memory_space<hbm>> -> memref<1x79x128xi32, #tpu.memory_space<hbm>>
      %dma_wait3A_33 = tpu.memref_squeeze %dma_wait3A_32 : memref<1x79x128xi32, #tpu.memory_space<hbm>> -> memref<79x128xi32, #tpu.memory_space<hbm>>
      %dma_wait3A_34 = arith.constant 0 : i32
      %dma_wait3A_35 = arith.constant 0 : i32
      %dma_wait3A_36 = tpu.memref_slice %arg5[%add3A, %dma_wait3A_34, %dma_wait3A_35] : memref<32x79x128xi32, #tpu.memory_space<hbm>> -> memref<1x79x128xi32, #tpu.memory_space<hbm>>
      %dma_wait3A_37 = tpu.memref_squeeze %dma_wait3A_36 : memref<1x79x128xi32, #tpu.memory_space<hbm>> -> memref<79x128xi32, #tpu.memory_space<hbm>>
      tpu.wait_dma2 semaphore(%run_scoped3A_21 : memref<!tpu.dma_semaphore, #tpu.memory_space<semaphore_mem>>) src(%dma_wait3A_37 : memref<79x128xi32, #tpu.memory_space<hbm>>) dst(%arg8 : memref<79x128xi32, #tpu.memory_space<vmem>>)
      tpu.yield
    }) : () -> ()
    %barrier3A = arith.constant 0 : index
    tpu.barrier barrier_id(%barrier3A)
    %dma_start3A = arith.constant 0 : i32
    %dma_start3A_3 = arith.constant 0 : i32
    %dma_start3A_4 = tpu.memref_slice %arg7[%dma_start3A, %dma_start3A_3] : memref<79x128xi32, #tpu.memory_space<vmem>> -> memref<1x128xi32, #tpu.memory_space<vmem>>
    %dma_start3A_5 = tpu.memref_squeeze %dma_start3A_4 : memref<1x128xi32, #tpu.memory_space<vmem>> -> memref<128xi32, #tpu.memory_space<vmem>>
    %dma_start3A_6 = arith.constant 0 : i32
    %dma_start3A_7 = arith.constant 0 : i32
    %dma_start3A_8 = tpu.memref_slice %arg3[%dma_start3A_6, %dma_start3A_7] : memref<10000x64xf32, #tpu.memory_space<hbm>> -> memref<10000x64xf32, #tpu.memory_space<hbm>>
    tpu.enqueue_indirect_dma source(%dma_start3A_8 : memref<10000x64xf32, #tpu.memory_space<hbm>>) target(%arg9 : memref<128x64xf32, #tpu.memory_space<vmem>>) offsets(%dma_start3A_5 : memref<128xi32, #tpu.memory_space<vmem>>) semaphore(%arg12 : memref<!tpu.dma_semaphore, #tpu.memory_space<semaphore_mem>>)
    %scan3A = arith.constant 0 : i32
    %scan3A_9 = arith.constant 0 : i32
    %scan3A_10 = arith.constant 39 : i32
    %scan3A_11 = arith.addi %scan3A_9, %scan3A_10 : i32
    %scan3A_12 = arith.constant 1 : i32
    scf.for %scan3A_21 = %scan3A_9 to %scan3A_11 step %scan3A_12  : i32 {
      %mul3A_22 = arith.constant 2 : i32
      %mul3A_23 = arith.muli %mul3A_22, %scan3A_21 : i32
      %add3A_24 = arith.constant 1 : i32
      %add3A_25 = arith.addi %mul3A_23, %add3A_24 : i32
      %dma_start3A_26 = arith.constant 0 : i32
      %dma_start3A_27 = tpu.memref_slice %arg7[%add3A_25, %dma_start3A_26] : memref<79x128xi32, #tpu.memory_space<vmem>> -> memref<1x128xi32, #tpu.memory_space<vmem>>
      %dma_start3A_28 = tpu.memref_squeeze %dma_start3A_27 : memref<1x128xi32, #tpu.memory_space<vmem>> -> memref<128xi32, #tpu.memory_space<vmem>>
      %dma_start3A_29 = arith.constant 0 : i32
      %dma_start3A_30 = arith.constant 0 : i32
      %dma_start3A_31 = tpu.memref_slice %arg3[%dma_start3A_29, %dma_start3A_30] : memref<10000x64xf32, #tpu.memory_space<hbm>> -> memref<10000x64xf32, #tpu.memory_space<hbm>>
      tpu.enqueue_indirect_dma source(%dma_start3A_31 : memref<10000x64xf32, #tpu.memory_space<hbm>>) target(%arg10 : memref<128x64xf32, #tpu.memory_space<vmem>>) offsets(%dma_start3A_28 : memref<128xi32, #tpu.memory_space<vmem>>) semaphore(%arg13 : memref<!tpu.dma_semaphore, #tpu.memory_space<semaphore_mem>>)
      %dma_wait3A_32 = arith.constant 0 : i32
      %dma_wait3A_33 = tpu.memref_slice %arg7[%mul3A_23, %dma_wait3A_32] : memref<79x128xi32, #tpu.memory_space<vmem>> -> memref<1x128xi32, #tpu.memory_space<vmem>>
      %dma_wait3A_34 = tpu.memref_squeeze %dma_wait3A_33 : memref<1x128xi32, #tpu.memory_space<vmem>> -> memref<128xi32, #tpu.memory_space<vmem>>
      %dma_wait3A_35 = arith.constant 0 : i32
      %dma_wait3A_36 = arith.constant 0 : i32
      %dma_wait3A_37 = tpu.memref_slice %arg3[%dma_wait3A_35, %dma_wait3A_36] : memref<10000x64xf32, #tpu.memory_space<hbm>> -> memref<10000x64xf32, #tpu.memory_space<hbm>>
      tpu.wait_indirect_dma semaphore(%arg12 : memref<!tpu.dma_semaphore, #tpu.memory_space<semaphore_mem>>) src(%dma_wait3A_37 : memref<10000x64xf32, #tpu.memory_space<hbm>>) dst(%arg9 : memref<128x64xf32, #tpu.memory_space<vmem>>)
      "tpu.region"() ({
        %run_scoped3A_52 = tpu.sem_alloc : memref<!tpu.dma_semaphore, #tpu.memory_space<semaphore_mem>>
        %dma_start3A_53 = arith.constant 0 : i32
        %dma_start3A_54 = tpu.memref_slice %arg8[%mul3A_23, %dma_start3A_53] : memref<79x128xi32, #tpu.memory_space<vmem>> -> memref<1x128xi32, #tpu.memory_space<vmem>>
        %dma_start3A_55 = tpu.memref_squeeze %dma_start3A_54 : memref<1x128xi32, #tpu.memory_space<vmem>> -> memref<128xi32, #tpu.memory_space<vmem>>
        %dma_start3A_56 = arith.constant 0 : i32
        %dma_start3A_57 = arith.constant 0 : i32
        %dma_start3A_58 = tpu.memref_slice %arg11[%dma_start3A_56, %dma_start3A_57] : memref<10112x64xf32, #tpu.memory_space<vmem_shared>> -> memref<10112x64xf32, #tpu.memory_space<vmem_shared>>
        tpu.enqueue_indirect_dma source(%arg9 : memref<128x64xf32, #tpu.memory_space<vmem>>) target(%dma_start3A_58 : memref<10112x64xf32, #tpu.memory_space<vmem_shared>>) offsets(%dma_start3A_55 : memref<128xi32, #tpu.memory_space<vmem>>) semaphore(%run_scoped3A_52 : memref<!tpu.dma_semaphore, #tpu.memory_space<semaphore_mem>>) {add = true}
        %dma_wait3A_59 = arith.constant 0 : i32
        %dma_wait3A_60 = tpu.memref_slice %arg8[%mul3A_23, %dma_wait3A_59] : memref<79x128xi32, #tpu.memory_space<vmem>> -> memref<1x128xi32, #tpu.memory_space<vmem>>
        %dma_wait3A_61 = tpu.memref_squeeze %dma_wait3A_60 : memref<1x128xi32, #tpu.memory_space<vmem>> -> memref<128xi32, #tpu.memory_space<vmem>>
        %dma_wait3A_62 = arith.constant 0 : i32
        %dma_wait3A_63 = arith.constant 0 : i32
        %dma_wait3A_64 = tpu.memref_slice %arg11[%dma_wait3A_62, %dma_wait3A_63] : memref<10112x64xf32, #tpu.memory_space<vmem_shared>> -> memref<10112x64xf32, #tpu.memory_space<vmem_shared>>
        tpu.wait_indirect_dma semaphore(%run_scoped3A_52 : memref<!tpu.dma_semaphore, #tpu.memory_space<semaphore_mem>>) src(%arg9 : memref<128x64xf32, #tpu.memory_space<vmem>>) dst(%dma_wait3A_64 : memref<10112x64xf32, #tpu.memory_space<vmem_shared>>)
        tpu.yield
      }) : () -> ()
      %add3A_38 = arith.constant 2 : i32
      %add3A_39 = arith.addi %mul3A_23, %add3A_38 : i32
      %dma_start3A_40 = arith.constant 0 : i32
      %dma_start3A_41 = tpu.memref_slice %arg7[%add3A_39, %dma_start3A_40] : memref<79x128xi32, #tpu.memory_space<vmem>> -> memref<1x128xi32, #tpu.memory_space<vmem>>
      %dma_start3A_42 = tpu.memref_squeeze %dma_start3A_41 : memref<1x128xi32, #tpu.memory_space<vmem>> -> memref<128xi32, #tpu.memory_space<vmem>>
      %dma_start3A_43 = arith.constant 0 : i32
      %dma_start3A_44 = arith.constant 0 : i32
      %dma_start3A_45 = tpu.memref_slice %arg3[%dma_start3A_43, %dma_start3A_44] : memref<10000x64xf32, #tpu.memory_space<hbm>> -> memref<10000x64xf32, #tpu.memory_space<hbm>>
      tpu.enqueue_indirect_dma source(%dma_start3A_45 : memref<10000x64xf32, #tpu.memory_space<hbm>>) target(%arg9 : memref<128x64xf32, #tpu.memory_space<vmem>>) offsets(%dma_start3A_42 : memref<128xi32, #tpu.memory_space<vmem>>) semaphore(%arg12 : memref<!tpu.dma_semaphore, #tpu.memory_space<semaphore_mem>>)
      %dma_wait3A_46 = arith.constant 0 : i32
      %dma_wait3A_47 = tpu.memref_slice %arg7[%add3A_25, %dma_wait3A_46] : memref<79x128xi32, #tpu.memory_space<vmem>> -> memref<1x128xi32, #tpu.memory_space<vmem>>
      %dma_wait3A_48 = tpu.memref_squeeze %dma_wait3A_47 : memref<1x128xi32, #tpu.memory_space<vmem>> -> memref<128xi32, #tpu.memory_space<vmem>>
      %dma_wait3A_49 = arith.constant 0 : i32
      %dma_wait3A_50 = arith.constant 0 : i32
      %dma_wait3A_51 = tpu.memref_slice %arg3[%dma_wait3A_49, %dma_wait3A_50] : memref<10000x64xf32, #tpu.memory_space<hbm>> -> memref<10000x64xf32, #tpu.memory_space<hbm>>
      tpu.wait_indirect_dma semaphore(%arg13 : memref<!tpu.dma_semaphore, #tpu.memory_space<semaphore_mem>>) src(%dma_wait3A_51 : memref<10000x64xf32, #tpu.memory_space<hbm>>) dst(%arg10 : memref<128x64xf32, #tpu.memory_space<vmem>>)
      "tpu.region"() ({
        %run_scoped3A_52 = tpu.sem_alloc : memref<!tpu.dma_semaphore, #tpu.memory_space<semaphore_mem>>
        %dma_start3A_53 = arith.constant 0 : i32
        %dma_start3A_54 = tpu.memref_slice %arg8[%add3A_25, %dma_start3A_53] : memref<79x128xi32, #tpu.memory_space<vmem>> -> memref<1x128xi32, #tpu.memory_space<vmem>>
        %dma_start3A_55 = tpu.memref_squeeze %dma_start3A_54 : memref<1x128xi32, #tpu.memory_space<vmem>> -> memref<128xi32, #tpu.memory_space<vmem>>
        %dma_start3A_56 = arith.constant 0 : i32
        %dma_start3A_57 = arith.constant 0 : i32
        %dma_start3A_58 = tpu.memref_slice %arg11[%dma_start3A_56, %dma_start3A_57] : memref<10112x64xf32, #tpu.memory_space<vmem_shared>> -> memref<10112x64xf32, #tpu.memory_space<vmem_shared>>
        tpu.enqueue_indirect_dma source(%arg10 : memref<128x64xf32, #tpu.memory_space<vmem>>) target(%dma_start3A_58 : memref<10112x64xf32, #tpu.memory_space<vmem_shared>>) offsets(%dma_start3A_55 : memref<128xi32, #tpu.memory_space<vmem>>) semaphore(%run_scoped3A_52 : memref<!tpu.dma_semaphore, #tpu.memory_space<semaphore_mem>>) {add = true}
        %dma_wait3A_59 = arith.constant 0 : i32
        %dma_wait3A_60 = tpu.memref_slice %arg8[%add3A_25, %dma_wait3A_59] : memref<79x128xi32, #tpu.memory_space<vmem>> -> memref<1x128xi32, #tpu.memory_space<vmem>>
        %dma_wait3A_61 = tpu.memref_squeeze %dma_wait3A_60 : memref<1x128xi32, #tpu.memory_space<vmem>> -> memref<128xi32, #tpu.memory_space<vmem>>
        %dma_wait3A_62 = arith.constant 0 : i32
        %dma_wait3A_63 = arith.constant 0 : i32
        %dma_wait3A_64 = tpu.memref_slice %arg11[%dma_wait3A_62, %dma_wait3A_63] : memref<10112x64xf32, #tpu.memory_space<vmem_shared>> -> memref<10112x64xf32, #tpu.memory_space<vmem_shared>>
        tpu.wait_indirect_dma semaphore(%run_scoped3A_52 : memref<!tpu.dma_semaphore, #tpu.memory_space<semaphore_mem>>) src(%arg10 : memref<128x64xf32, #tpu.memory_space<vmem>>) dst(%dma_wait3A_64 : memref<10112x64xf32, #tpu.memory_space<vmem_shared>>)
        tpu.yield
      }) : () -> ()
    }
    %scan3A_13 = arith.constant 39 : i32
    %dma_wait3A = arith.constant 78 : i32
    %dma_wait3A_14 = arith.constant 0 : i32
    %dma_wait3A_15 = tpu.memref_slice %arg7[%dma_wait3A, %dma_wait3A_14] : memref<79x128xi32, #tpu.memory_space<vmem>> -> memref<1x128xi32, #tpu.memory_space<vmem>>
    %dma_wait3A_16 = tpu.memref_squeeze %dma_wait3A_15 : memref<1x128xi32, #tpu.memory_space<vmem>> -> memref<128xi32, #tpu.memory_space<vmem>>
    %dma_wait3A_17 = arith.constant 0 : i32
    %dma_wait3A_18 = arith.constant 0 : i32
    %dma_wait3A_19 = tpu.memref_slice %arg3[%dma_wait3A_17, %dma_wait3A_18] : memref<10000x64xf32, #tpu.memory_space<hbm>> -> memref<10000x64xf32, #tpu.memory_space<hbm>>
    tpu.wait_indirect_dma semaphore(%arg12 : memref<!tpu.dma_semaphore, #tpu.memory_space<semaphore_mem>>) src(%dma_wait3A_19 : memref<10000x64xf32, #tpu.memory_space<hbm>>) dst(%arg9 : memref<128x64xf32, #tpu.memory_space<vmem>>)
    %run_scoped3A = arith.constant 78 : i32
    "tpu.region"() ({
      %run_scoped3A_21 = tpu.sem_alloc : memref<!tpu.dma_semaphore, #tpu.memory_space<semaphore_mem>>
      %dma_start3A_22 = arith.constant 0 : i32
      %dma_start3A_23 = tpu.memref_slice %arg8[%run_scoped3A, %dma_start3A_22] : memref<79x128xi32, #tpu.memory_space<vmem>> -> memref<1x128xi32, #tpu.memory_space<vmem>>
      %dma_start3A_24 = tpu.memref_squeeze %dma_start3A_23 : memref<1x128xi32, #tpu.memory_space<vmem>> -> memref<128xi32, #tpu.memory_space<vmem>>
      %dma_start3A_25 = arith.constant 0 : i32
      %dma_start3A_26 = arith.constant 0 : i32
      %dma_start3A_27 = tpu.memref_slice %arg11[%dma_start3A_25, %dma_start3A_26] : memref<10112x64xf32, #tpu.memory_space<vmem_shared>> -> memref<10112x64xf32, #tpu.memory_space<vmem_shared>>
      tpu.enqueue_indirect_dma source(%arg9 : memref<128x64xf32, #tpu.memory_space<vmem>>) target(%dma_start3A_27 : memref<10112x64xf32, #tpu.memory_space<vmem_shared>>) offsets(%dma_start3A_24 : memref<128xi32, #tpu.memory_space<vmem>>) semaphore(%run_scoped3A_21 : memref<!tpu.dma_semaphore, #tpu.memory_space<semaphore_mem>>) {add = true}
      %dma_wait3A_28 = arith.constant 0 : i32
      %dma_wait3A_29 = tpu.memref_slice %arg8[%run_scoped3A, %dma_wait3A_28] : memref<79x128xi32, #tpu.memory_space<vmem>> -> memref<1x128xi32, #tpu.memory_space<vmem>>
      %dma_wait3A_30 = tpu.memref_squeeze %dma_wait3A_29 : memref<1x128xi32, #tpu.memory_space<vmem>> -> memref<128xi32, #tpu.memory_space<vmem>>
      %dma_wait3A_31 = arith.constant 0 : i32
      %dma_wait3A_32 = arith.constant 0 : i32
      %dma_wait3A_33 = tpu.memref_slice %arg11[%dma_wait3A_31, %dma_wait3A_32] : memref<10112x64xf32, #tpu.memory_space<vmem_shared>> -> memref<10112x64xf32, #tpu.memory_space<vmem_shared>>
      tpu.wait_indirect_dma semaphore(%run_scoped3A_21 : memref<!tpu.dma_semaphore, #tpu.memory_space<semaphore_mem>>) src(%arg9 : memref<128x64xf32, #tpu.memory_space<vmem>>) dst(%dma_wait3A_33 : memref<10112x64xf32, #tpu.memory_space<vmem_shared>>)
      tpu.yield
    }) : () -> ()
    %barrier3A_20 = arith.constant 0 : index
    tpu.barrier barrier_id(%barrier3A_20)
    "tpu.region"() ({
      %run_scoped3A_21 = tpu.sem_alloc : memref<!tpu.dma_semaphore, #tpu.memory_space<semaphore_mem>>
      %dma_start3A_22 = arith.constant 0 : i32
      %dma_start3A_23 = tpu.memref_slice %arg6[%arg0, %mul3A_2, %dma_start3A_22] : memref<2x10112x64xf32, #tpu.memory_space<hbm>> -> memref<1x632x64xf32, #tpu.memory_space<hbm>>
      %dma_start3A_24 = tpu.memref_squeeze %dma_start3A_23 : memref<1x632x64xf32, #tpu.memory_space<hbm>> -> memref<632x64xf32, #tpu.memory_space<hbm>>
      %dma_start3A_25 = arith.constant 0 : i32
      %dma_start3A_26 = tpu.memref_slice %arg11[%mul3A_2, %dma_start3A_25] : memref<10112x64xf32, #tpu.memory_space<vmem_shared>> -> memref<632x64xf32, #tpu.memory_space<vmem_shared>>
      tpu.enqueue_dma source(%dma_start3A_26 : memref<632x64xf32, #tpu.memory_space<vmem_shared>>) target(%dma_start3A_24 : memref<632x64xf32, #tpu.memory_space<hbm>>) target_semaphore(%run_scoped3A_21 : memref<!tpu.dma_semaphore, #tpu.memory_space<semaphore_mem>>)
      %dma_wait3A_27 = arith.constant 0 : i32
      %dma_wait3A_28 = tpu.memref_slice %arg6[%arg0, %mul3A_2, %dma_wait3A_27] : memref<2x10112x64xf32, #tpu.memory_space<hbm>> -> memref<1x632x64xf32, #tpu.memory_space<hbm>>
      %dma_wait3A_29 = tpu.memref_squeeze %dma_wait3A_28 : memref<1x632x64xf32, #tpu.memory_space<hbm>> -> memref<632x64xf32, #tpu.memory_space<hbm>>
      %dma_wait3A_30 = arith.constant 0 : i32
      %dma_wait3A_31 = tpu.memref_slice %arg11[%mul3A_2, %dma_wait3A_30] : memref<10112x64xf32, #tpu.memory_space<vmem_shared>> -> memref<632x64xf32, #tpu.memory_space<vmem_shared>>
      tpu.wait_dma2 semaphore(%run_scoped3A_21 : memref<!tpu.dma_semaphore, #tpu.memory_space<semaphore_mem>>) src(%dma_wait3A_31 : memref<632x64xf32, #tpu.memory_space<vmem_shared>>) dst(%dma_wait3A_29 : memref<632x64xf32, #tpu.memory_space<hbm>>)
      tpu.yield
    }) : () -> ()
    return
  }
}

module attributes {stable_mosaic.version = 14 : i64} {
  func.func @_tc0_body(%arg0: i32, %arg1: memref<2x2000x16xf32, #tpu.memory_space<vmem>>, %arg2: memref<2000x128xf32, #tpu.memory_space<vmem>>, %arg3: memref<128x64xf32, #tpu.memory_space<vmem>>, %arg4: memref<1x64xf32, #tpu.memory_space<vmem>>, %arg5: memref<64x64xf32, #tpu.memory_space<vmem>>, %arg6: memref<2000x1xf32, #tpu.memory_space<vmem>>, %arg7: memref<2000x64xf32, #tpu.memory_space<vmem>>, %arg8: memref<2000x64xf32, #tpu.memory_space<vmem>>) attributes {dimension_semantics = [#tpu.dimension_semantics<arbitrary>], iteration_bounds = array<i64: 5>, scalar_prefetch = 0 : i64, scratch_operands = 0 : i64, tpu.core_type = #tpu.core_type<tc>, window_params = [{transform_indices = @transform_0, window_bounds = array<i64: 2, 2000, 16>}, {transform_indices = @transform_1, window_bounds = array<i64: 2000, 128>}, {pipeline_mode = #tpu.pipeline_mode<synchronous>, transform_indices = @transform_2, window_bounds = array<i64: 128, 64>}, {pipeline_mode = #tpu.pipeline_mode<synchronous>, transform_indices = @transform_3, window_bounds = array<i64: 1, 64>}, {pipeline_mode = #tpu.pipeline_mode<synchronous>, transform_indices = @transform_4, window_bounds = array<i64: 64, 64>}, {transform_indices = @transform_5, window_bounds = array<i64: 2000, 1>}, {transform_indices = @transform_6, window_bounds = array<i64: 2000, 64>}, {transform_indices = @transform_7, window_bounds = array<i64: 2000, 64>}]} {
    %get3A = arith.constant 0 : index
    %get3A_0 = arith.constant 0 : index
    %get3A_1 = arith.constant 0 : index
    %get3A_2 = vector.load %arg1[%get3A, %get3A_0, %get3A_1] : memref<2x2000x16xf32, #tpu.memory_space<vmem>>, vector<1x2000x1xf32>
    %get3A_3 = vector.shape_cast %get3A_2 : vector<1x2000x1xf32> to vector<2000xf32>
    %get3A_4 = arith.constant 1 : index
    %get3A_5 = arith.constant 0 : index
    %get3A_6 = arith.constant 0 : index
    %get3A_7 = vector.load %arg1[%get3A_4, %get3A_5, %get3A_6] : memref<2x2000x16xf32, #tpu.memory_space<vmem>>, vector<1x2000x1xf32>
    %get3A_8 = vector.shape_cast %get3A_7 : vector<1x2000x1xf32> to vector<2000xf32>
    %add3A = arith.addf %get3A_3, %get3A_8 : vector<2000xf32>
    %add3A_9 = arith.constant 1.000000e+00 : f32
    %add3A_10 = vector.broadcast %add3A_9 : f32 to vector<2000xf32>
    %add3A_11 = arith.addf %add3A, %add3A_10 : vector<2000xf32>
    %rsqrt3A = math.rsqrt %add3A_11 : vector<2000xf32>
    %broadcast_in_dim3A = vector.shape_cast %rsqrt3A : vector<2000xf32> to vector<2000x1xf32>
    %get3A_12 = arith.constant 0 : index
    %get3A_13 = arith.constant 0 : index
    %get3A_14 = vector.load %arg2[%get3A_12, %get3A_13] : memref<2000x128xf32, #tpu.memory_space<vmem>>, vector<2000x128xf32>
    %get3A_15 = arith.constant 0 : index
    %get3A_16 = arith.constant 0 : index
    %get3A_17 = vector.load %arg3[%get3A_15, %get3A_16] : memref<128x64xf32, #tpu.memory_space<vmem>>, vector<128x64xf32>
    %dot_general3A = arith.constant dense<0.000000e+00> : vector<2000x64xf32>
    %dot_general3A_18 = tpu.matmul %get3A_14, %get3A_17, %dot_general3A {dimension_numbers = #tpu.dot_dimension_numbers<[1], [0], [0], [1], [0, 0, 1, 1], [], []>, transpose_lhs_hint = false} : vector<2000x128xf32>, vector<128x64xf32>, vector<2000x64xf32> -> vector<2000x64xf32>
    %get3A_19 = arith.constant 0 : index
    %get3A_20 = arith.constant 0 : index
    %get3A_21 = vector.load %arg4[%get3A_19, %get3A_20] : memref<1x64xf32, #tpu.memory_space<vmem>>, vector<1x64xf32>
    %add3A_22 = vector.broadcast %get3A_21 : vector<1x64xf32> to vector<2000x64xf32>
    %add3A_23 = arith.addf %dot_general3A_18, %add3A_22 : vector<2000x64xf32>
    %max3A = arith.constant 0.000000e+00 : f32
    %max3A_24 = vector.broadcast %max3A : f32 to vector<2000x64xf32>
    %max3A_25 = arith.maximumf %add3A_23, %max3A_24 : vector<2000x64xf32>
    %get3A_26 = arith.constant 0 : index
    %get3A_27 = arith.constant 0 : index
    %get3A_28 = vector.load %arg5[%get3A_26, %get3A_27] : memref<64x64xf32, #tpu.memory_space<vmem>>, vector<64x64xf32>
    %dot_general3A_29 = arith.constant dense<0.000000e+00> : vector<2000x64xf32>
    %dot_general3A_30 = tpu.matmul %max3A_25, %get3A_28, %dot_general3A_29 {dimension_numbers = #tpu.dot_dimension_numbers<[1], [0], [0], [1], [0, 0, 1, 1], [], []>, transpose_lhs_hint = false} : vector<2000x64xf32>, vector<64x64xf32>, vector<2000x64xf32> -> vector<2000x64xf32>
    %mul3A = vector.broadcast %broadcast_in_dim3A : vector<2000x1xf32> to vector<2000x64xf32>
    %mul3A_31 = arith.mulf %mul3A, %dot_general3A_30 : vector<2000x64xf32>
    %swap3A = arith.constant 0 : index
    %swap3A_32 = arith.constant 0 : index
    %swap3A_33 = vector.load %arg6[%swap3A, %swap3A_32] : memref<2000x1xf32, #tpu.memory_space<vmem>>, vector<2000x1xf32>
    tpu.vector_store %arg6[%swap3A, %swap3A_32], %broadcast_in_dim3A {strides = array<i32>} : memref<2000x1xf32, #tpu.memory_space<vmem>>, vector<2000x1xf32>,
    %swap3A_34 = arith.constant 0 : index
    %swap3A_35 = arith.constant 0 : index
    %swap3A_36 = vector.load %arg7[%swap3A_34, %swap3A_35] : memref<2000x64xf32, #tpu.memory_space<vmem>>, vector<2000x64xf32>
    tpu.vector_store %arg7[%swap3A_34, %swap3A_35], %mul3A_31 {strides = array<i32>} : memref<2000x64xf32, #tpu.memory_space<vmem>>, vector<2000x64xf32>,
    %mul3A_37 = vector.broadcast %broadcast_in_dim3A : vector<2000x1xf32> to vector<2000x64xf32>
    %mul3A_38 = arith.mulf %mul3A_37, %mul3A_31 : vector<2000x64xf32>
    %swap3A_39 = arith.constant 0 : index
    %swap3A_40 = arith.constant 0 : index
    %swap3A_41 = vector.load %arg8[%swap3A_39, %swap3A_40] : memref<2000x64xf32, #tpu.memory_space<vmem>>, vector<2000x64xf32>
    tpu.vector_store %arg8[%swap3A_39, %swap3A_40], %mul3A_38 {strides = array<i32>} : memref<2000x64xf32, #tpu.memory_space<vmem>>, vector<2000x64xf32>,
    return
  }
  func.func @transform_0(%arg0: i32) -> (i32, i32, i32) {
    %c0_i32 = arith.constant 0 : i32
    %c0_i32_0 = arith.constant 0 : i32
    %c0_i32_1 = arith.constant 0 : i32
    return %c0_i32, %arg0, %c0_i32_0 : i32, i32, i32
  }
  func.func @transform_1(%arg0: i32) -> (i32, i32) {
    %c0_i32 = arith.constant 0 : i32
    %c0_i32_0 = arith.constant 0 : i32
    return %arg0, %c0_i32 : i32, i32
  }
  func.func @transform_2(%arg0: i32) -> (i32, i32) {
    %c0_i32 = arith.constant 0 : i32
    %c0_i32_0 = arith.constant 0 : i32
    %c0_i32_1 = arith.constant 0 : i32
    return %c0_i32, %c0_i32_0 : i32, i32
  }
  func.func @transform_3(%arg0: i32) -> (i32, i32) {
    %c0_i32 = arith.constant 0 : i32
    %c0_i32_0 = arith.constant 0 : i32
    %c0_i32_1 = arith.constant 0 : i32
    return %c0_i32, %c0_i32_0 : i32, i32
  }
  func.func @transform_4(%arg0: i32) -> (i32, i32) {
    %c0_i32 = arith.constant 0 : i32
    %c0_i32_0 = arith.constant 0 : i32
    %c0_i32_1 = arith.constant 0 : i32
    return %c0_i32, %c0_i32_0 : i32, i32
  }
  func.func @transform_5(%arg0: i32) -> (i32, i32) {
    %c0_i32 = arith.constant 0 : i32
    %c0_i32_0 = arith.constant 0 : i32
    return %arg0, %c0_i32 : i32, i32
  }
  func.func @transform_6(%arg0: i32) -> (i32, i32) {
    %c0_i32 = arith.constant 0 : i32
    %c0_i32_0 = arith.constant 0 : i32
    return %arg0, %c0_i32 : i32, i32
  }
  func.func @transform_7(%arg0: i32) -> (i32, i32) {
    %c0_i32 = arith.constant 0 : i32
    %c0_i32_0 = arith.constant 0 : i32
    return %arg0, %c0_i32 : i32, i32
  }
}

module attributes {stable_mosaic.version = 14 : i64} {
  func.func @_tc_mid_body(%arg0: i32, %arg1: memref<2x2000x64xf32, #tpu.memory_space<vmem>>, %arg2: memref<2000x64xf32, #tpu.memory_space<vmem>>, %arg3: memref<2000x1xf32, #tpu.memory_space<vmem>>, %arg4: memref<1x64xf32, #tpu.memory_space<vmem>>, %arg5: memref<64x64xf32, #tpu.memory_space<vmem>>, %arg6: memref<2000x64xf32, #tpu.memory_space<vmem>>, %arg7: memref<2000x64xf32, #tpu.memory_space<vmem>>) attributes {dimension_semantics = [#tpu.dimension_semantics<arbitrary>], iteration_bounds = array<i64: 5>, scalar_prefetch = 0 : i64, scratch_operands = 0 : i64, tpu.core_type = #tpu.core_type<tc>, window_params = [{transform_indices = @transform_0, window_bounds = array<i64: 2, 2000, 64>}, {transform_indices = @transform_1, window_bounds = array<i64: 2000, 64>}, {transform_indices = @transform_2, window_bounds = array<i64: 2000, 1>}, {pipeline_mode = #tpu.pipeline_mode<synchronous>, transform_indices = @transform_3, window_bounds = array<i64: 1, 64>}, {pipeline_mode = #tpu.pipeline_mode<synchronous>, transform_indices = @transform_4, window_bounds = array<i64: 64, 64>}, {transform_indices = @transform_5, window_bounds = array<i64: 2000, 64>}, {transform_indices = @transform_6, window_bounds = array<i64: 2000, 64>}]} {
    %get3A = arith.constant 0 : index
    %get3A_0 = arith.constant 0 : index
    %get3A_1 = arith.constant 0 : index
    %get3A_2 = vector.load %arg1[%get3A, %get3A_0, %get3A_1] : memref<2x2000x64xf32, #tpu.memory_space<vmem>>, vector<1x2000x64xf32>
    %get3A_3 = vector.shape_cast %get3A_2 : vector<1x2000x64xf32> to vector<2000x64xf32>
    %get3A_4 = arith.constant 1 : index
    %get3A_5 = arith.constant 0 : index
    %get3A_6 = arith.constant 0 : index
    %get3A_7 = vector.load %arg1[%get3A_4, %get3A_5, %get3A_6] : memref<2x2000x64xf32, #tpu.memory_space<vmem>>, vector<1x2000x64xf32>
    %get3A_8 = vector.shape_cast %get3A_7 : vector<1x2000x64xf32> to vector<2000x64xf32>
    %add3A = arith.addf %get3A_3, %get3A_8 : vector<2000x64xf32>
    %get3A_9 = arith.constant 0 : index
    %get3A_10 = arith.constant 0 : index
    %get3A_11 = vector.load %arg3[%get3A_9, %get3A_10] : memref<2000x1xf32, #tpu.memory_space<vmem>>, vector<2000x1xf32>
    %mul3A = vector.broadcast %get3A_11 : vector<2000x1xf32> to vector<2000x64xf32>
    %mul3A_12 = arith.mulf %mul3A, %add3A : vector<2000x64xf32>
    %get3A_13 = arith.constant 0 : index
    %get3A_14 = arith.constant 0 : index
    %get3A_15 = vector.load %arg2[%get3A_13, %get3A_14] : memref<2000x64xf32, #tpu.memory_space<vmem>>, vector<2000x64xf32>
    %add3A_16 = arith.addf %mul3A_12, %get3A_15 : vector<2000x64xf32>
    %get3A_17 = arith.constant 0 : index
    %get3A_18 = arith.constant 0 : index
    %get3A_19 = vector.load %arg4[%get3A_17, %get3A_18] : memref<1x64xf32, #tpu.memory_space<vmem>>, vector<1x64xf32>
    %add3A_20 = vector.broadcast %get3A_19 : vector<1x64xf32> to vector<2000x64xf32>
    %add3A_21 = arith.addf %add3A_16, %add3A_20 : vector<2000x64xf32>
    %max3A = arith.constant 0.000000e+00 : f32
    %max3A_22 = vector.broadcast %max3A : f32 to vector<2000x64xf32>
    %max3A_23 = arith.maximumf %add3A_21, %max3A_22 : vector<2000x64xf32>
    %get3A_24 = arith.constant 0 : index
    %get3A_25 = arith.constant 0 : index
    %get3A_26 = vector.load %arg5[%get3A_24, %get3A_25] : memref<64x64xf32, #tpu.memory_space<vmem>>, vector<64x64xf32>
    %dot_general3A = arith.constant dense<0.000000e+00> : vector<2000x64xf32>
    %dot_general3A_27 = tpu.matmul %max3A_23, %get3A_26, %dot_general3A {dimension_numbers = #tpu.dot_dimension_numbers<[1], [0], [0], [1], [0, 0, 1, 1], [], []>, transpose_lhs_hint = false} : vector<2000x64xf32>, vector<64x64xf32>, vector<2000x64xf32> -> vector<2000x64xf32>
    %mul3A_28 = vector.broadcast %get3A_11 : vector<2000x1xf32> to vector<2000x64xf32>
    %mul3A_29 = arith.mulf %mul3A_28, %dot_general3A_27 : vector<2000x64xf32>
    %swap3A = arith.constant 0 : index
    %swap3A_30 = arith.constant 0 : index
    %swap3A_31 = vector.load %arg6[%swap3A, %swap3A_30] : memref<2000x64xf32, #tpu.memory_space<vmem>>, vector<2000x64xf32>
    tpu.vector_store %arg6[%swap3A, %swap3A_30], %mul3A_29 {strides = array<i32>} : memref<2000x64xf32, #tpu.memory_space<vmem>>, vector<2000x64xf32>,
    %mul3A_32 = vector.broadcast %get3A_11 : vector<2000x1xf32> to vector<2000x64xf32>
    %mul3A_33 = arith.mulf %mul3A_32, %mul3A_29 : vector<2000x64xf32>
    %swap3A_34 = arith.constant 0 : index
    %swap3A_35 = arith.constant 0 : index
    %swap3A_36 = vector.load %arg7[%swap3A_34, %swap3A_35] : memref<2000x64xf32, #tpu.memory_space<vmem>>, vector<2000x64xf32>
    tpu.vector_store %arg7[%swap3A_34, %swap3A_35], %mul3A_33 {strides = array<i32>} : memref<2000x64xf32, #tpu.memory_space<vmem>>, vector<2000x64xf32>,
    return
  }
  func.func @transform_0(%arg0: i32) -> (i32, i32, i32) {
    %c0_i32 = arith.constant 0 : i32
    %c0_i32_0 = arith.constant 0 : i32
    %c0_i32_1 = arith.constant 0 : i32
    return %c0_i32, %arg0, %c0_i32_0 : i32, i32, i32
  }
  func.func @transform_1(%arg0: i32) -> (i32, i32) {
    %c0_i32 = arith.constant 0 : i32
    %c0_i32_0 = arith.constant 0 : i32
    return %arg0, %c0_i32 : i32, i32
  }
  func.func @transform_2(%arg0: i32) -> (i32, i32) {
    %c0_i32 = arith.constant 0 : i32
    %c0_i32_0 = arith.constant 0 : i32
    return %arg0, %c0_i32 : i32, i32
  }
  func.func @transform_3(%arg0: i32) -> (i32, i32) {
    %c0_i32 = arith.constant 0 : i32
    %c0_i32_0 = arith.constant 0 : i32
    %c0_i32_1 = arith.constant 0 : i32
    return %c0_i32, %c0_i32_0 : i32, i32
  }
  func.func @transform_4(%arg0: i32) -> (i32, i32) {
    %c0_i32 = arith.constant 0 : i32
    %c0_i32_0 = arith.constant 0 : i32
    %c0_i32_1 = arith.constant 0 : i32
    return %c0_i32, %c0_i32_0 : i32, i32
  }
  func.func @transform_5(%arg0: i32) -> (i32, i32) {
    %c0_i32 = arith.constant 0 : i32
    %c0_i32_0 = arith.constant 0 : i32
    return %arg0, %c0_i32 : i32, i32
  }
  func.func @transform_6(%arg0: i32) -> (i32, i32) {
    %c0_i32 = arith.constant 0 : i32
    %c0_i32_0 = arith.constant 0 : i32
    return %arg0, %c0_i32 : i32, i32
  }
}

module attributes {stable_mosaic.version = 14 : i64} {
  func.func @_tc3_body(%arg0: i32, %arg1: memref<2x2000x64xf32, #tpu.memory_space<vmem>>, %arg2: memref<2000x64xf32, #tpu.memory_space<vmem>>, %arg3: memref<2000x1xf32, #tpu.memory_space<vmem>>, %arg4: memref<1x64xf32, #tpu.memory_space<vmem>>, %arg5: memref<64x32xf32, #tpu.memory_space<vmem>>, %arg6: memref<1x32xf32, #tpu.memory_space<vmem>>, %arg7: memref<32x1xf32, #tpu.memory_space<vmem>>, %arg8: memref<1x1xf32, #tpu.memory_space<vmem>>, %arg9: memref<2000x1xf32, #tpu.memory_space<vmem>>) attributes {dimension_semantics = [#tpu.dimension_semantics<arbitrary>], iteration_bounds = array<i64: 5>, scalar_prefetch = 0 : i64, scratch_operands = 0 : i64, tpu.core_type = #tpu.core_type<tc>, window_params = [{transform_indices = @transform_0, window_bounds = array<i64: 2, 2000, 64>}, {transform_indices = @transform_1, window_bounds = array<i64: 2000, 64>}, {transform_indices = @transform_2, window_bounds = array<i64: 2000, 1>}, {pipeline_mode = #tpu.pipeline_mode<synchronous>, transform_indices = @transform_3, window_bounds = array<i64: 1, 64>}, {pipeline_mode = #tpu.pipeline_mode<synchronous>, transform_indices = @transform_4, window_bounds = array<i64: 64, 32>}, {pipeline_mode = #tpu.pipeline_mode<synchronous>, transform_indices = @transform_5, window_bounds = array<i64: 1, 32>}, {pipeline_mode = #tpu.pipeline_mode<synchronous>, transform_indices = @transform_6, window_bounds = array<i64: 32, 1>}, {pipeline_mode = #tpu.pipeline_mode<synchronous>, transform_indices = @transform_7, window_bounds = array<i64: 1, 1>}, {transform_indices = @transform_8, window_bounds = array<i64: 2000, 1>}]} {
    %get3A = arith.constant 0 : index
    %get3A_0 = arith.constant 0 : index
    %get3A_1 = arith.constant 0 : index
    %get3A_2 = vector.load %arg1[%get3A, %get3A_0, %get3A_1] : memref<2x2000x64xf32, #tpu.memory_space<vmem>>, vector<1x2000x64xf32>
    %get3A_3 = vector.shape_cast %get3A_2 : vector<1x2000x64xf32> to vector<2000x64xf32>
    %get3A_4 = arith.constant 1 : index
    %get3A_5 = arith.constant 0 : index
    %get3A_6 = arith.constant 0 : index
    %get3A_7 = vector.load %arg1[%get3A_4, %get3A_5, %get3A_6] : memref<2x2000x64xf32, #tpu.memory_space<vmem>>, vector<1x2000x64xf32>
    %get3A_8 = vector.shape_cast %get3A_7 : vector<1x2000x64xf32> to vector<2000x64xf32>
    %add3A = arith.addf %get3A_3, %get3A_8 : vector<2000x64xf32>
    %get3A_9 = arith.constant 0 : index
    %get3A_10 = arith.constant 0 : index
    %get3A_11 = vector.load %arg3[%get3A_9, %get3A_10] : memref<2000x1xf32, #tpu.memory_space<vmem>>, vector<2000x1xf32>
    %mul3A = vector.broadcast %get3A_11 : vector<2000x1xf32> to vector<2000x64xf32>
    %mul3A_12 = arith.mulf %mul3A, %add3A : vector<2000x64xf32>
    %get3A_13 = arith.constant 0 : index
    %get3A_14 = arith.constant 0 : index
    %get3A_15 = vector.load %arg2[%get3A_13, %get3A_14] : memref<2000x64xf32, #tpu.memory_space<vmem>>, vector<2000x64xf32>
    %add3A_16 = arith.addf %mul3A_12, %get3A_15 : vector<2000x64xf32>
    %get3A_17 = arith.constant 0 : index
    %get3A_18 = arith.constant 0 : index
    %get3A_19 = vector.load %arg4[%get3A_17, %get3A_18] : memref<1x64xf32, #tpu.memory_space<vmem>>, vector<1x64xf32>
    %add3A_20 = vector.broadcast %get3A_19 : vector<1x64xf32> to vector<2000x64xf32>
    %add3A_21 = arith.addf %add3A_16, %add3A_20 : vector<2000x64xf32>
    %max3A = arith.constant 0.000000e+00 : f32
    %max3A_22 = vector.broadcast %max3A : f32 to vector<2000x64xf32>
    %max3A_23 = arith.maximumf %add3A_21, %max3A_22 : vector<2000x64xf32>
    %get3A_24 = arith.constant 0 : index
    %get3A_25 = arith.constant 0 : index
    %get3A_26 = vector.load %arg5[%get3A_24, %get3A_25] : memref<64x32xf32, #tpu.memory_space<vmem>>, vector<64x32xf32>
    %dot_general3A = arith.constant dense<0.000000e+00> : vector<2000x32xf32>
    %dot_general3A_27 = tpu.matmul %max3A_23, %get3A_26, %dot_general3A {dimension_numbers = #tpu.dot_dimension_numbers<[1], [0], [0], [1], [0, 0, 1, 1], [], []>, transpose_lhs_hint = false} : vector<2000x64xf32>, vector<64x32xf32>, vector<2000x32xf32> -> vector<2000x32xf32>
    %get3A_28 = arith.constant 0 : index
    %get3A_29 = arith.constant 0 : index
    %get3A_30 = vector.load %arg6[%get3A_28, %get3A_29] : memref<1x32xf32, #tpu.memory_space<vmem>>, vector<1x32xf32>
    %add3A_31 = vector.broadcast %get3A_30 : vector<1x32xf32> to vector<2000x32xf32>
    %add3A_32 = arith.addf %dot_general3A_27, %add3A_31 : vector<2000x32xf32>
    %max3A_33 = arith.constant 0.000000e+00 : f32
    %max3A_34 = vector.broadcast %max3A_33 : f32 to vector<2000x32xf32>
    %max3A_35 = arith.maximumf %add3A_32, %max3A_34 : vector<2000x32xf32>
    %get3A_36 = arith.constant 0 : index
    %get3A_37 = arith.constant 0 : index
    %get3A_38 = vector.load %arg7[%get3A_36, %get3A_37] : memref<32x1xf32, #tpu.memory_space<vmem>>, vector<32x1xf32>
    %dot_general3A_39 = arith.constant dense<0.000000e+00> : vector<2000x1xf32>
    %dot_general3A_40 = tpu.matmul %max3A_35, %get3A_38, %dot_general3A_39 {dimension_numbers = #tpu.dot_dimension_numbers<[1], [0], [0], [1], [0, 0, 1, 1], [], []>, transpose_lhs_hint = false} : vector<2000x32xf32>, vector<32x1xf32>, vector<2000x1xf32> -> vector<2000x1xf32>
    %get3A_41 = arith.constant 0 : index
    %get3A_42 = arith.constant 0 : index
    %get3A_43 = vector.load %arg8[%get3A_41, %get3A_42] : memref<1x1xf32, #tpu.memory_space<vmem>>, vector<1x1xf32>
    %add3A_44 = vector.broadcast %get3A_43 : vector<1x1xf32> to vector<2000x1xf32>
    %add3A_45 = arith.addf %dot_general3A_40, %add3A_44 : vector<2000x1xf32>
    %swap3A = arith.constant 0 : index
    %swap3A_46 = arith.constant 0 : index
    %swap3A_47 = vector.load %arg9[%swap3A, %swap3A_46] : memref<2000x1xf32, #tpu.memory_space<vmem>>, vector<2000x1xf32>
    tpu.vector_store %arg9[%swap3A, %swap3A_46], %add3A_45 {strides = array<i32>} : memref<2000x1xf32, #tpu.memory_space<vmem>>, vector<2000x1xf32>,
    return
  }
  func.func @transform_0(%arg0: i32) -> (i32, i32, i32) {
    %c0_i32 = arith.constant 0 : i32
    %c0_i32_0 = arith.constant 0 : i32
    %c0_i32_1 = arith.constant 0 : i32
    return %c0_i32, %arg0, %c0_i32_0 : i32, i32, i32
  }
  func.func @transform_1(%arg0: i32) -> (i32, i32) {
    %c0_i32 = arith.constant 0 : i32
    %c0_i32_0 = arith.constant 0 : i32
    return %arg0, %c0_i32 : i32, i32
  }
  func.func @transform_2(%arg0: i32) -> (i32, i32) {
    %c0_i32 = arith.constant 0 : i32
    %c0_i32_0 = arith.constant 0 : i32
    return %arg0, %c0_i32 : i32, i32
  }
  func.func @transform_3(%arg0: i32) -> (i32, i32) {
    %c0_i32 = arith.constant 0 : i32
    %c0_i32_0 = arith.constant 0 : i32
    %c0_i32_1 = arith.constant 0 : i32
    return %c0_i32, %c0_i32_0 : i32, i32
  }
  func.func @transform_4(%arg0: i32) -> (i32, i32) {
    %c0_i32 = arith.constant 0 : i32
    %c0_i32_0 = arith.constant 0 : i32
    %c0_i32_1 = arith.constant 0 : i32
    return %c0_i32, %c0_i32_0 : i32, i32
  }
  func.func @transform_5(%arg0: i32) -> (i32, i32) {
    %c0_i32 = arith.constant 0 : i32
    %c0_i32_0 = arith.constant 0 : i32
    %c0_i32_1 = arith.constant 0 : i32
    return %c0_i32, %c0_i32_0 : i32, i32
  }
  func.func @transform_6(%arg0: i32) -> (i32, i32) {
    %c0_i32 = arith.constant 0 : i32
    %c0_i32_0 = arith.constant 0 : i32
    %c0_i32_1 = arith.constant 0 : i32
    return %c0_i32, %c0_i32_0 : i32, i32
  }
  func.func @transform_7(%arg0: i32) -> (i32, i32) {
    %c0_i32 = arith.constant 0 : i32
    %c0_i32_0 = arith.constant 0 : i32
    %c0_i32_1 = arith.constant 0 : i32
    return %c0_i32, %c0_i32_0 : i32, i32
  }
  func.func @transform_8(%arg0: i32) -> (i32, i32) {
    %c0_i32 = arith.constant 0 : i32
    %c0_i32_0 = arith.constant 0 : i32
    return %arg0, %c0_i32 : i32, i32
  }
}

</mosaic_0001>

<sc_bundles>
// kernel: _run.10.cloned.1.call-start
scs
__scs_entry_jumppad:
0x0: {  	(pc) =	sbr.rel $0x88, $3  }
0x1: {  	(tag) =	ssettag $0x0;
	lr =	simm.s32 $0x1  }
0x2: {  	[smem:$0x3F93] =	sst lr;
	_ =	strace $0xD0000000  }
0x3: {  	_ = 	snop  }
0x4: {  	_ = 	snop  }
0x5: {  	_ = 	snop  }
0x6: {  	_ = 	snop  }
0x7: {  	_ = 	snop  }
__scs_overlays_trampoline_lowered:
0x8: {  	[smem:$0x3FA2] =	sst s0  }
0x9: {  	[smem:$0x3FA3] =	sst s1  }
0xa: {  	[smem:$0x3FA4] =	sst s2  }
0xb: {  	[smem:$0x3FA5] =	sst s3  }
0xc: {  	[smem:$0x3FA6] =	sst s4  }
0xd: {  	[smem:$0x3FA7] =	sst s5  }
0xe: {  	[smem:$0x3FA8] =	sst s6  }
0xf: {  	[smem:$0x3FA9] =	sst s7  }
0x10: {  	[smem:$0x3FAA] =	sst s8  }
0x11: {  	[smem:$0x3FAB] =	sst s9;
	s0 =	simm.s32 @!p0 $0x0  }
0x12: {  	s1 =	sld [smem:$0x3F91];
	s0 =	simm.s32 @p0 $0x1  }
0x13: {  	[smem:$0x3FAC] =	sst s0;
	s0 =	simm.s32 @!p1 $0x0  }
0x14: {  	s2 =	sld [smem:$0x3F90];
	s0 =	simm.s32 @p1 $0x1  }
0x15: {  	[smem:$0x3FAD] =	sst s0;
	s0 =	simm.s32 @!p2 $0x0  }
0x16: {  	s3 =	sld [smem:$0x3FDB];
	s0 =	simm.s32 @p2 $0x1  }
0x17: {  	s4 =	simm.s32 $0x1BF5;
	[smem:$0x3FAF] =	sst s0  }
0x18: {  	s0 =	sld [smem:$0x3F92];
	_ =	swait.ge [sflag:s4], $0x0  }
0x19: {  	s7 =	sld [smem:$0x3F93]  }
0x1a: {  	s8 =	sadd.s32 $0xFFFFE003, lr  }
0x1b: {  	s9 =	sadd.s32 $0xFFFFFEF7, lr;
	s5 =	simm.s32 $0xFFFFFFFF;
	p2 =	slt.u32 s8, $0xFFFFF086  }
0x1c: {  	p1 =	slt.u32 s9, $0xF7A;
	s5 =	simm.s32 @!p2 $0x0  }
0x1d: {  	s5 =	simm.s32 @p1 $0x1;
	p0 =	seq.s32 s7, s2  }
0x1e: {  	s7 =	smul.u32 @!p0 $0xF7A, s2;
	p2 =	seq.s32 @!p0 s5, $0x0  }
0x1f: {  	s9 =	smul.u32 $0xF7A, s1;
	s8 =	simm.s32 @!p0 $0x1BF5;
	p2 =	por !p2, p0  }
0x20: {  	[sflag:s8] =	ssyncset.s32 @!p0 $0xFFFFF086;
	s6 =	sadd.s32 @!p0 s3, s7;
	s7 =	simm.s32 @!p0 $0x108  }
0x21: {  	s3 =	sadd.s32 s3, s9;
	s6 =	sadd.s32 @!p0 $0x88, s6;
	s7 =	simm.s32 @p2 $0x1082  }
0x22: {  	[simem:s7], [sflag:s8] =	dma.local @!p0 [hbm:s6], $0xF7A  }
0x23: {  	s9 =	sor.u32 $0xD0000000, s2;
	s6 =	simm.s32 $0x108;
	_ =	swait.ge @!p0 [sflag:s8], $0x0  }
0x24: {  	s3 =	sadd.s32 $0x88, s3;
	s6 =	simm.s32 @!p1 $0x1082;
	[sflag:s4] =	ssyncset.s32 $0xFFFFF086  }
0x25: {  	[simem:s6], [sflag:s4] =	dma.local [hbm:s3], $0xF7A  }
0x26: {  	[smem:$0x3F93] =	sst s1;
	(tag) =	ssettag s2;
	_ =	strace s9  }
0x27: {  	s1 =	sld [smem:$0x3FA3]  }
0x28: {  	s2 =	sld [smem:$0x3FA4]  }
0x29: {  	s4 =	sld [smem:$0x3FA6]  }
0x2a: {  	p0 =	seq.s32 s5, $0x0;
	s5 =	sld [smem:$0x3FA7]  }
0x2b: {  	s6 =	sld [smem:$0x3FA8]  }
0x2c: {  	s7 =	sld [smem:$0x3FA9]  }
0x2d: {  	s3 =	simm.s32 $0x108;
	s8 =	sld [smem:$0x3FAA]  }
0x2e: {  	s3 =	simm.s32 @!p0 $0x1082;
	s9 =	sld [smem:$0x3FAB]  }
0x2f: {  	lr =	sadd.s32 s0, s3;
	s0 =	sld [smem:$0x3FA2]  }
0x30: {  	s3 =	sld [smem:$0x3FA5]  }
0x31: {  	[smem:$0x3FAE] =	sst s10  }
0x32: {  	s10 =	sld [smem:$0x3FAC];
	_ =	sdelay $0x3  }
0x33: {  	p0 =	seq.s32 s10, $0x1;
	s10 =	sld [smem:$0x3FAE];
	_ =	sdelay $0x3  }
0x34: {  	[smem:$0x3FAE] =	sst s10  }
0x35: {  	s10 =	sld [smem:$0x3FAD];
	_ =	sdelay $0x3  }
0x36: {  	p1 =	seq.s32 s10, $0x1;
	s10 =	sld [smem:$0x3FAE];
	_ =	sdelay $0x3  }
0x37: {  	[smem:$0x3FAE] =	sst s10  }
0x38: {  	s10 =	sld [smem:$0x3FAF]  }
0x39: {  	_ = 	snop;
	(pc) =	sbr.ind lr, $3  }
0x3a: {  	_ = 	snop  }
0x3b: {  	_ = 	snop  }
0x3c: {  	p2 =	seq.s32 s10, $0x1;
	s10 =	sld [smem:$0x3FAE]  }
0x3d: {  	_ =	shalt  }
0x3e: {  	_ =	shalt  }
0x3f: {  	_ =	shalt  }
0x40: {  	_ =	shalt  }
0x41: {  	_ =	shalt  }
0x42: {  	_ =	shalt  }
0x43: {  	_ =	shalt  }
0x44: {  	_ =	shalt  }
0x45: {  	_ =	shalt  }
0x46: {  	_ =	shalt  }
0x47: {  	_ =	shalt  }
0x48: {  	_ =	shalt  }
0x49: {  	_ =	shalt  }
0x4a: {  	_ =	shalt  }
0x4b: {  	_ =	shalt  }
0x4c: {  	_ =	shalt  }
0x4d: {  	_ =	shalt  }
0x4e: {  	_ =	shalt  }
0x4f: {  	_ =	shalt  }
0x50: {  	_ =	shalt  }
0x51: {  	_ =	shalt  }
0x52: {  	_ =	shalt  }
0x53: {  	_ =	shalt  }
0x54: {  	_ =	shalt  }
0x55: {  	_ =	shalt  }
0x56: {  	_ =	shalt  }
0x57: {  	_ =	shalt  }
0x58: {  	_ =	shalt  }
0x59: {  	_ =	shalt  }
0x5a: {  	_ =	shalt  }
0x5b: {  	_ =	shalt  }
0x5c: {  	_ =	shalt  }
0x5d: {  	_ =	shalt  }
0x5e: {  	_ =	shalt  }
0x5f: {  	_ =	shalt  }
0x60: {  	_ =	shalt  }
0x61: {  	_ =	shalt  }
0x62: {  	_ =	shalt  }
0x63: {  	_ =	shalt  }
0x64: {  	_ =	shalt  }
0x65: {  	_ =	shalt  }
0x66: {  	_ =	shalt  }
0x67: {  	_ =	shalt  }
0x68: {  	_ =	shalt  }
0x69: {  	_ =	shalt  }
0x6a: {  	_ =	shalt  }
0x6b: {  	_ =	shalt  }
0x6c: {  	_ =	shalt  }
0x6d: {  	_ =	shalt  }
0x6e: {  	_ =	shalt  }
0x6f: {  	_ =	shalt  }
0x70: {  	_ =	shalt  }
0x71: {  	_ =	shalt  }
0x72: {  	_ =	shalt  }
0x73: {  	_ =	shalt  }
0x74: {  	_ =	shalt  }
0x75: {  	_ =	shalt  }
0x76: {  	_ =	shalt  }
0x77: {  	_ =	shalt  }
0x78: {  	_ =	shalt  }
0x79: {  	_ =	shalt  }
0x7a: {  	_ =	shalt  }
0x7b: {  	_ =	shalt  }
0x7c: {  	_ =	shalt  }
0x7d: {  	_ =	shalt  }
0x7e: {  	_ =	shalt  }
0x7f: {  	_ =	shalt  }
0x80: {  	_ =	shalt  }
0x81: {  	_ =	shalt  }
0x82: {  	_ =	shalt  }
0x83: {  	_ =	shalt  }
0x84: {  	_ =	shalt  }
0x85: {  	_ =	shalt  }
0x86: {  	_ =	shalt  }
0x87: {  	_ =	shalt  }
.Lfunc_end0:
.L_simem_size_0:
called_computation_lowered:
.L_overlay_start_0:
0x88: {  	s2 =	sld [smem:$0x3FD9]  }
0x89: {  	s3 =	sld [smem:$0x3FFE];
	_ =	sdelay $0x1  }
0x8a: {  	s1 =	srdreg.scid  }
0x8b: {  	s0 =	sand.u32 $0x1, s1  }
0x8c: {  	s17 =	sshll.u32 s0, $0xA;
	s2 =	sadd.s32 s3, s2  }
0x8d: {  	s2 =	sadd.s32 s2, s17  }
0x8e: {  	[smem:$0x3FBA] =	sst s2  }
0x8f: {  	_ = 	snop  }
0x90: {  	s2 =	sld [smem:$0x3FD0];
	(tm) =	ssettm $0x1  }
0x91: {  	s18 =	sld [smem:$0x3FFB];
	_ =	sdelay $0x3  }
0x92: {  	_ =	strace s18  }
0x93: {  	s3 =	sld [smem:$0x3FFC];
	_ =	sdelay $0x3  }
0x94: {  	_ =	strace s3  }
0x95: {  	s3 =	sld [smem:$0x3FFD];
	_ =	sdelay $0x3  }
0x96: {  	_ =	strace s3  }
0x97: {  	_ =	strace $0x8FFFFFFF  }
0x98: {  	s19 =	sld [smem:$0x3FDB];
	_ =	sdelay $0x1  }
0x99: {  	s4 =	simm.s32 $_scs_section_size  }
0x9a: {  	s5 =	simm.s32 $_size__tile_overlayer_lowered;
	s6 =	simm.s32 $_tile_overlayer_lowered  }
0x9b: {  	s22 =	simm.s32 $0x1BFF;
	s21 =	sshll.u32 s6, $0x1;
	s3 =	sadd.s32 s4, s19  }
0x9c: {  	s7 =	simm.s32 $0x0;
	s20 =	sshll.u32 s5, $0x1;
	s5 =	sadd.s32 s21, s3  }
0x9d: {  	[timem:s7], [sflag:s22] =	dma.local [hbm:s5], s20  }
0x9e: {  	_ =	swait.ge [sflag:s22], s20  }
0x9f: {  	s4 =	ssub.s32 $0x0, s20;
	[sflag:s22] =	ssyncset.done $0x0  }
0xa0: {  	[sflag:s22] =	ssyncadd.s32 s4;
	_ =	sdelay $0x1  }
0xa1: {  	s23 =	simm.s32 $0x1B8B  }
0xa2: {  	_ =	swait.ge [sflag:s23], $0x1  }
0xa3: {  	[sflag:s23] =	ssyncset.done $0x0  }
0xa4: {  	s25 =	simm.s32 $0x1B8E;
	s24 =	sld [smem:$0x3FFE];
	[sflag:s23] =	ssyncadd.s32 $0xFFFFFFFF  }
0xa5: {  	s26 =	simm.s32 $execute0_lowered;
	[smem:$0x3FD2] =	sst s25  }
0xa6: {  	s5 =	sshll.u32 s26, $0x1;
	_ =	strace $0x80000046;
	[dreg:$0x1] =	wrdreg $0xFFFFFFFF  }
0xa7: {  	s28 =	simm.s32 $_size_execute0_lowered;
	s3 =	sadd.s32 s3, s5;
	[dreg:$0x0] =	wrdreg $0x0  }
0xa8: {  	s5 =	sshll.u32 s28, $0x1;
	[dreg:$0x2] =	wrdreg s3  }
0xa9: {  	[dreg:$0x3] =	wrdreg s5  }
0xaa: {  	[dreg:$0x4] =	wrdreg $0xC0  }
0xab: {  	_ =	task [dreg:s7], $0x5FFFF  }
0xac: {  	[dreg:$0x1] =	wrdreg $0xFFFFFFFF  }
0xad: {  	[dreg:$0x0] =	wrdreg $0x60  }
0xae: {  	[dreg:$0x2] =	wrdreg s24  }
0xaf: {  	[dreg:$0x3] =	wrdreg s2  }
0xb0: {  	[dreg:$0x4] =	wrdreg $0x2F800  }
0xb1: {  	[dreg:$0x5] =	wrdreg $0x9  }
0xb2: {  	_ =	task.clear_ibuf [dreg:s7], $0x6FFFF;
	_ =	strace $0x90000046  }
0xb3: {  	s29 =	simm.s32 $0x9;
	_ =	strace $0x80000048  }
0xb4: {  	_ =	swait.ge [sflag:s29], $0x1  }
0xb5: {  	[sflag:s29] =	ssyncadd.s32 $0xFFFFFFFF  }
0xb6: {  	_ =	strace $0x90000048  }
0xb7: {  	_ =	sfence  }
0xb8: {  	s30 =	sld [smem:$0x0];
	_ =	sdelay $0x2  }
0xb9: {  	s31 =	sshll.u32 s1, $0xD;
	s1 =	sshrl.u32 s1, $0x2  }
0xba: {  	s3 =	sand.u32 $0x4000, s31;
	s1 =	sadd.s32 s1, s30  }
0xbb: {  	s0 =	sor.u32 s3, s0;
	s1 =	sshll.u32 s1, $0x11  }
0xbc: {  	s0 =	sor.u32 s1, s0  }
0xbd: {  	s0 =	sadd.s32 $0x8F2B, s0  }
0xbe: {  	[sflag:s0] =	ssyncadd.remote.s32 $0x1  }
0xbf: {  	_ =	sfence.sel $0xFFFF  }
0xc0: {  	[dreg:$0x0] =	wrdreg $0xFFFFFFFF;
	(pc) =	sbr.abs _section_cstart, $3  }
0xc1: {  	[dreg:$0x1] =	wrdreg $0xFFFFFFFF  }
0xc2: {  	_ =	task.clear_ibuf [dreg:s7], $0x2FFFF;
	_ =	strace $0x9FFFFFFF  }
0xc3: {  	(tm) =	ssettm $0x7FFFFFFF  }
tec
execute0_lowered:
.L_overlay_start_1:
0x0: {  	(tag) =	ssettag $0x1  }
0x1: {  	s5 =	rddreg [dreg:$0x0]  }
0x2: {  	s2 =	rddreg [dreg:$0x1]  }
0x3: {  	s3 =	rddreg [dreg:$0x2]  }
0x4: {  	s0 =	rddreg [dreg:$0x3]  }
0x5: {  	s1 =	stileid.u32;
	s6 =	srdreg.scid  }
0x6: {  	s4 =	simm.s32 $0x0;
	s13 =	simm.s32 $0x80;
	s14 =	simm.s32 $0x0  }
0x7: {  	s7 =	smul.u32 $0x2800, s1;
	s6 =	sand.u32 $0x1, s6;
	[smem:$0x7FF] =	sst s4  }
0x8: {  	s31 =	sshll.u32 s1, $0x6;
	s8 =	sshll.u32 s6, $0x4;
	s9 =	smul.u32 $0x28000, s6  }
0x9: {  	_ =	strace $0x80000047;
	s6 =	ssub.s32 $0x2, s6;
	s10 =	sshrl.u32 s7, $0x3  }
0xa: {  	s8 =	sor.u32 s1, s8;
	s11 =	sshrl.u32 s6, $0x1;
	s12 =	sadd.s32 s7, s3  }
0xb: {  	s8 =	smul.u32 $0x4F0, s8;
	s9 =	sadd.s32 s7, s9;
	s10 =	sadd.s32 s10, s5  }
0xc: {  	s11 =	ssub.s32 s6, s11;
	s6 =	sor.u32 $0x1C01, s31;
	s9 =	sshrl.u32 s9, $0x3  }
0xd: {  	s8 =	sadd.s32 s8, s5;
	s9 =	sadd.s32 s9, s5;
	s5 =	sadd.s32 $0x16A00, s10  }
0xe: {  	s10 =	sshrl.u32 s12, $0x3;
	s12 =	simm.s32 $0x2780;
	s7 =	sadd.s32 $0x2E00, s8  }
0xf: {  	s8 =	sadd.s32 $0x1BA00, s9;
	s9 =	smax.u32 s11, $0x1;
	s11 =	simm.s32 $0x1  }
.LBB2_1:
0x10: {  	[spmem:s10], [sflag:s6] =	dma.local [hbm:s5], $0x500  }
0x11: {  	_ =	swait.ge [sflag:s11], $0x500  }
0x12: {  	[sflag:s11] =	ssyncset.done $0x0  }
0x13: {  	[sflag:s11] =	ssyncadd.s32 $0xFFFFFB00  }
0x14: {  	[tilespmem:s12], [sflag:$0x1] =	stream.linear.gather [hbm4b:s2+s4], $0x800, $0x38;
	[tilespmem:$0x5780] =	vst v63  }
0x15: {  	_ =	swait.ge [sflag:s11], $0x800  }
0x16: {  	[sflag:s11] =	ssyncset.done $0x0  }
0x17: {  	[sflag:s11] =	ssyncadd.s32 $0xFFFFF800  }
0x18: {  	[tilespmem:s4], [sflag:$0x1] =	stream.linear.gather [hbm4b:s7+s4], $0x2780, $0x38;
	[tilespmem:$0x5780] =	vst v63  }
0x19: {  	_ =	swait.ge [sflag:s11], $0x2780  }
0x1a: {  	[sflag:s11] =	ssyncset.done $0x0  }
0x1b: {  	[sflag:s11] =	ssyncadd.s32 $0xFFFFD880  }
0x1c: {  	s15 =	simm.s32 $0x0;
	[bflag:$0x0] =	sbarrier.arrive $0xFFFF  }
0x1d: {  	[spmem:s3] =	stream.indirect.scatter.add.f32 [tilespmem:s12], [sflag:$0x1], $0x10, s15, s13, $0xb8;
	[tilespmem:$0x5780] =	vst v63  }
0x1e: {  	_ =	swait.ge [sflag:s11], $0x800  }
0x1f: {  	s15 =	simm.s32 $0x200;
	[sflag:s11] =	ssyncset.done $0x0  }
.LBB2_2:
0x20: {  	s16 =	sshra.s32 s15, $0x2;
	[sflag:s11] =	ssyncadd.s32 $0xFFFFF800;
	p0 =	sne.s32 s15, $0x9C00  }
0x21: {  	[spmem:s3] =	stream.indirect.scatter.add.f32 [tilespmem:s12], [sflag:$0x1], $0x10, s16, s13, $0xb8;
	[tilespmem:$0x5780] =	vst v63  }
.Ltmp0:
0x22: {  	_ = 	snop;
	(pc) =	sbr.rel @p0 .LBB2_2-.Ltmp0, $4  }
0x23: {  	_ = 	snop  }
0x24: {  	s15 =	sadd.s32 $0x200, s15  }
0x25: {  	_ =	swait.ge [sflag:s11], $0x800  }
0x26: {  	[sflag:s11] =	ssyncset.done $0x0  }
0x27: {  	s14 =	sadd.s32 $0x1, s14  }
0x28: {  	[sflag:s11] =	ssyncadd.s32 $0xFFFFF800;
	p0 =	sne.s32 s14, s9  }
.Ltmp1:
0x29: {  	[bflag:$0x0] =	sbarrier.arrive $0xFFFF;
	(pc) =	sbr.rel @p0 .LBB2_1-.Ltmp1, $4  }
0x2a: {  	[hbm:s8], [sflag:s6] =	dma.local [spmem:s10], $0x500  }
0x2b: {  	_ =	swait.ge [sflag:s11], $0x500  }
0x2c: {  	[sflag:s11] =	ssyncset.done $0x0  }
0x2d: {  	[sflag:s11] =	ssyncadd.s32 $0xFFFFFB00  }
0x2e: {  	_ =	sfence.sel $0x180000  }
0x2f: {  	[bflag:$0x0] =	sbarrier.arrive $0xFFFF  }
0x30: {  	p0 =	sne.s32 s1, $0x0;
	_ =	strace $0x90000047  }
0x31: {  	s0 =	sadd.s32 @!p0 $0x100000, s0;
	[bflag:$0x2] =	sbarrier.arrive $0xFFFF  }
0x32: {  	[sflag:s0] =	ssyncadd.tile.s32 @!p0 $0x1;
	_ =	shalt  }
.Lfunc_end2:
_tile_overlayer_lowered:
.L_overlay_start_2:
0x33: {  	(tag) =	ssettag $0x2  }
0x34: {  	s0 =	rddreg [dreg:$0x0];
	s2 =	stileid.u32  }
0x35: {  	s1 =	rddreg [dreg:$0x1];
	p0 =	sne.s32 s2, $0x0  }
0x36: {  	s3 =	rddreg [dreg:$0x2];
	[bflag:$0x3] =	sbarrier.arrive $0xFFFF;
	s2 =	simm.s32 @!p0 $0x1C01  }
0x37: {  	[timem:s3], [sflag:s2] =	dma.local @!p0 [hbm:s0], s1  }
0x38: {  	s0 =	simm.s32 @!p0 $0x1  }
0x39: {  	_ =	swait.ge @!p0 [sflag:s0], s1  }
0x3a: {  	s1 =	ssub.s32 @!p0 $0x0, s1;
	[sflag:s0] =	ssyncset.done @!p0 $0x0  }
0x3b: {  	[sflag:s0] =	ssyncadd.s32 @!p0 s1  }
0x3c: {  	[bflag:$0x3] =	sbarrier.arrive $0xFFFF  }
0x3d: {  	_ =	shalt  }

// kernel: _run.13.cloned.1.call-start
scs
__scs_entry_jumppad:
0x0: {  	(pc) =	sbr.rel $0x88, $3  }
0x1: {  	(tag) =	ssettag $0x0;
	lr =	simm.s32 $0x1  }
0x2: {  	[smem:$0x3F93] =	sst lr;
	_ =	strace $0xD0000000  }
0x3: {  	_ = 	snop  }
0x4: {  	_ = 	snop  }
0x5: {  	_ = 	snop  }
0x6: {  	_ = 	snop  }
0x7: {  	_ = 	snop  }
__scs_overlays_trampoline_lowered:
0x8: {  	[smem:$0x3FA2] =	sst s0  }
0x9: {  	[smem:$0x3FA3] =	sst s1  }
0xa: {  	[smem:$0x3FA4] =	sst s2  }
0xb: {  	[smem:$0x3FA5] =	sst s3  }
0xc: {  	[smem:$0x3FA6] =	sst s4  }
0xd: {  	[smem:$0x3FA7] =	sst s5  }
0xe: {  	[smem:$0x3FA8] =	sst s6  }
0xf: {  	[smem:$0x3FA9] =	sst s7  }
0x10: {  	[smem:$0x3FAA] =	sst s8  }
0x11: {  	[smem:$0x3FAB] =	sst s9;
	s0 =	simm.s32 @!p0 $0x0  }
0x12: {  	s1 =	sld [smem:$0x3F91];
	s0 =	simm.s32 @p0 $0x1  }
0x13: {  	[smem:$0x3FAC] =	sst s0;
	s0 =	simm.s32 @!p1 $0x0  }
0x14: {  	s2 =	sld [smem:$0x3F90];
	s0 =	simm.s32 @p1 $0x1  }
0x15: {  	[smem:$0x3FAD] =	sst s0;
	s0 =	simm.s32 @!p2 $0x0  }
0x16: {  	s3 =	sld [smem:$0x3FDB];
	s0 =	simm.s32 @p2 $0x1  }
0x17: {  	s4 =	simm.s32 $0x1BF5;
	[smem:$0x3FAF] =	sst s0  }
0x18: {  	s0 =	sld [smem:$0x3F92];
	_ =	swait.ge [sflag:s4], $0x0  }
0x19: {  	s7 =	sld [smem:$0x3F93]  }
0x1a: {  	s8 =	sadd.s32 $0xFFFFE003, lr  }
0x1b: {  	s9 =	sadd.s32 $0xFFFFFEF7, lr;
	s5 =	simm.s32 $0xFFFFFFFF;
	p2 =	slt.u32 s8, $0xFFFFF086  }
0x1c: {  	p1 =	slt.u32 s9, $0xF7A;
	s5 =	simm.s32 @!p2 $0x0  }
0x1d: {  	s5 =	simm.s32 @p1 $0x1;
	p0 =	seq.s32 s7, s2  }
0x1e: {  	s7 =	smul.u32 @!p0 $0xF7A, s2;
	p2 =	seq.s32 @!p0 s5, $0x0  }
0x1f: {  	s9 =	smul.u32 $0xF7A, s1;
	s8 =	simm.s32 @!p0 $0x1BF5;
	p2 =	por !p2, p0  }
0x20: {  	[sflag:s8] =	ssyncset.s32 @!p0 $0xFFFFF086;
	s6 =	sadd.s32 @!p0 s3, s7;
	s7 =	simm.s32 @!p0 $0x108  }
0x21: {  	s3 =	sadd.s32 s3, s9;
	s6 =	sadd.s32 @!p0 $0x88, s6;
	s7 =	simm.s32 @p2 $0x1082  }
0x22: {  	[simem:s7], [sflag:s8] =	dma.local @!p0 [hbm:s6], $0xF7A  }
0x23: {  	s9 =	sor.u32 $0xD0000000, s2;
	s6 =	simm.s32 $0x108;
	_ =	swait.ge @!p0 [sflag:s8], $0x0  }
0x24: {  	s3 =	sadd.s32 $0x88, s3;
	s6 =	simm.s32 @!p1 $0x1082;
	[sflag:s4] =	ssyncset.s32 $0xFFFFF086  }
0x25: {  	[simem:s6], [sflag:s4] =	dma.local [hbm:s3], $0xF7A  }
0x26: {  	[smem:$0x3F93] =	sst s1;
	(tag) =	ssettag s2;
	_ =	strace s9  }
0x27: {  	s1 =	sld [smem:$0x3FA3]  }
0x28: {  	s2 =	sld [smem:$0x3FA4]  }
0x29: {  	s4 =	sld [smem:$0x3FA6]  }
0x2a: {  	p0 =	seq.s32 s5, $0x0;
	s5 =	sld [smem:$0x3FA7]  }
0x2b: {  	s6 =	sld [smem:$0x3FA8]  }
0x2c: {  	s7 =	sld [smem:$0x3FA9]  }
0x2d: {  	s3 =	simm.s32 $0x108;
	s8 =	sld [smem:$0x3FAA]  }
0x2e: {  	s3 =	simm.s32 @!p0 $0x1082;
	s9 =	sld [smem:$0x3FAB]  }
0x2f: {  	lr =	sadd.s32 s0, s3;
	s0 =	sld [smem:$0x3FA2]  }
0x30: {  	s3 =	sld [smem:$0x3FA5]  }
0x31: {  	[smem:$0x3FAE] =	sst s10  }
0x32: {  	s10 =	sld [smem:$0x3FAC];
	_ =	sdelay $0x3  }
0x33: {  	p0 =	seq.s32 s10, $0x1;
	s10 =	sld [smem:$0x3FAE];
	_ =	sdelay $0x3  }
0x34: {  	[smem:$0x3FAE] =	sst s10  }
0x35: {  	s10 =	sld [smem:$0x3FAD];
	_ =	sdelay $0x3  }
0x36: {  	p1 =	seq.s32 s10, $0x1;
	s10 =	sld [smem:$0x3FAE];
	_ =	sdelay $0x3  }
0x37: {  	[smem:$0x3FAE] =	sst s10  }
0x38: {  	s10 =	sld [smem:$0x3FAF]  }
0x39: {  	_ = 	snop;
	(pc) =	sbr.ind lr, $3  }
0x3a: {  	_ = 	snop  }
0x3b: {  	_ = 	snop  }
0x3c: {  	p2 =	seq.s32 s10, $0x1;
	s10 =	sld [smem:$0x3FAE]  }
0x3d: {  	_ =	shalt  }
0x3e: {  	_ =	shalt  }
0x3f: {  	_ =	shalt  }
0x40: {  	_ =	shalt  }
0x41: {  	_ =	shalt  }
0x42: {  	_ =	shalt  }
0x43: {  	_ =	shalt  }
0x44: {  	_ =	shalt  }
0x45: {  	_ =	shalt  }
0x46: {  	_ =	shalt  }
0x47: {  	_ =	shalt  }
0x48: {  	_ =	shalt  }
0x49: {  	_ =	shalt  }
0x4a: {  	_ =	shalt  }
0x4b: {  	_ =	shalt  }
0x4c: {  	_ =	shalt  }
0x4d: {  	_ =	shalt  }
0x4e: {  	_ =	shalt  }
0x4f: {  	_ =	shalt  }
0x50: {  	_ =	shalt  }
0x51: {  	_ =	shalt  }
0x52: {  	_ =	shalt  }
0x53: {  	_ =	shalt  }
0x54: {  	_ =	shalt  }
0x55: {  	_ =	shalt  }
0x56: {  	_ =	shalt  }
0x57: {  	_ =	shalt  }
0x58: {  	_ =	shalt  }
0x59: {  	_ =	shalt  }
0x5a: {  	_ =	shalt  }
0x5b: {  	_ =	shalt  }
0x5c: {  	_ =	shalt  }
0x5d: {  	_ =	shalt  }
0x5e: {  	_ =	shalt  }
0x5f: {  	_ =	shalt  }
0x60: {  	_ =	shalt  }
0x61: {  	_ =	shalt  }
0x62: {  	_ =	shalt  }
0x63: {  	_ =	shalt  }
0x64: {  	_ =	shalt  }
0x65: {  	_ =	shalt  }
0x66: {  	_ =	shalt  }
0x67: {  	_ =	shalt  }
0x68: {  	_ =	shalt  }
0x69: {  	_ =	shalt  }
0x6a: {  	_ =	shalt  }
0x6b: {  	_ =	shalt  }
0x6c: {  	_ =	shalt  }
0x6d: {  	_ =	shalt  }
0x6e: {  	_ =	shalt  }
0x6f: {  	_ =	shalt  }
0x70: {  	_ =	shalt  }
0x71: {  	_ =	shalt  }
0x72: {  	_ =	shalt  }
0x73: {  	_ =	shalt  }
0x74: {  	_ =	shalt  }
0x75: {  	_ =	shalt  }
0x76: {  	_ =	shalt  }
0x77: {  	_ =	shalt  }
0x78: {  	_ =	shalt  }
0x79: {  	_ =	shalt  }
0x7a: {  	_ =	shalt  }
0x7b: {  	_ =	shalt  }
0x7c: {  	_ =	shalt  }
0x7d: {  	_ =	shalt  }
0x7e: {  	_ =	shalt  }
0x7f: {  	_ =	shalt  }
0x80: {  	_ =	shalt  }
0x81: {  	_ =	shalt  }
0x82: {  	_ =	shalt  }
0x83: {  	_ =	shalt  }
0x84: {  	_ =	shalt  }
0x85: {  	_ =	shalt  }
0x86: {  	_ =	shalt  }
0x87: {  	_ =	shalt  }
.Lfunc_end0:
.L_simem_size_0:
called_computation.1_lowered:
.L_overlay_start_0:
0x88: {  	s2 =	sld [smem:$0x3FD9]  }
0x89: {  	s3 =	sld [smem:$0x3FFE];
	_ =	sdelay $0x1  }
0x8a: {  	s1 =	srdreg.scid  }
0x8b: {  	s0 =	sand.u32 $0x1, s1  }
0x8c: {  	s16 =	sshll.u32 s0, $0xA;
	s2 =	sadd.s32 s3, s2  }
0x8d: {  	s2 =	sadd.s32 s2, s16  }
0x8e: {  	[smem:$0x3FBA] =	sst s2  }
0x8f: {  	_ = 	snop  }
0x90: {  	(tm) =	ssettm $0x1  }
0x91: {  	s17 =	sld [smem:$0x3FFB];
	_ =	sdelay $0x3  }
0x92: {  	_ =	strace s17  }
0x93: {  	s2 =	sld [smem:$0x3FFC];
	_ =	sdelay $0x3  }
0x94: {  	_ =	strace s2  }
0x95: {  	s2 =	sld [smem:$0x3FFD];
	_ =	sdelay $0x3  }
0x96: {  	_ =	strace s2  }
0x97: {  	_ =	strace $0x8FFFFFFF  }
0x98: {  	s18 =	sld [smem:$0x3FDB];
	_ =	sdelay $0x1  }
0x99: {  	s19 =	simm.s32 $_scs_section_size  }
0x9a: {  	s4 =	simm.s32 $_size__tile_overlayer_lowered;
	s5 =	simm.s32 $_tile_overlayer_lowered  }
0x9b: {  	s22 =	simm.s32 $0x1BFF;
	s21 =	sshll.u32 s5, $0x1;
	s2 =	sadd.s32 s19, s18  }
0x9c: {  	s6 =	simm.s32 $0x0;
	s20 =	sshll.u32 s4, $0x1;
	s4 =	sadd.s32 s21, s2  }
0x9d: {  	[timem:s6], [sflag:s22] =	dma.local [hbm:s4], s20  }
0x9e: {  	_ =	swait.ge [sflag:s22], s20  }
0x9f: {  	s3 =	ssub.s32 $0x0, s20;
	[sflag:s22] =	ssyncset.done $0x0  }
0xa0: {  	[sflag:s22] =	ssyncadd.s32 s3;
	_ =	sdelay $0x1  }
0xa1: {  	s23 =	simm.s32 $0x1B8B  }
0xa2: {  	_ =	swait.ge [sflag:s23], $0x1  }
0xa3: {  	[sflag:s23] =	ssyncset.done $0x0  }
0xa4: {  	s25 =	simm.s32 $0x1B8E;
	s24 =	sld [smem:$0x3FFE];
	[sflag:s23] =	ssyncadd.s32 $0xFFFFFFFF  }
0xa5: {  	s26 =	simm.s32 $execute0_lowered;
	[smem:$0x3FD2] =	sst s25  }
0xa6: {  	s4 =	sshll.u32 s26, $0x1;
	_ =	strace $0x80000049;
	[dreg:$0x1] =	wrdreg $0xFFFFFFFF  }
0xa7: {  	s28 =	simm.s32 $_size_execute0_lowered;
	s2 =	sadd.s32 s2, s4;
	[dreg:$0x0] =	wrdreg $0x0  }
0xa8: {  	s4 =	sshll.u32 s28, $0x1;
	[dreg:$0x2] =	wrdreg s2  }
0xa9: {  	[dreg:$0x3] =	wrdreg s4  }
0xaa: {  	[dreg:$0x4] =	wrdreg $0xC0  }
0xab: {  	_ =	task [dreg:s6], $0x5FFFF  }
0xac: {  	[dreg:$0x1] =	wrdreg $0xFFFFFFFF  }
0xad: {  	[dreg:$0x0] =	wrdreg $0x60  }
0xae: {  	[dreg:$0x2] =	wrdreg s24  }
0xaf: {  	[dreg:$0x3] =	wrdreg $0x8F000  }
0xb0: {  	[dreg:$0x4] =	wrdreg $0x9  }
0xb1: {  	_ =	task.clear_ibuf [dreg:s6], $0x5FFFF;
	_ =	strace $0x90000049  }
0xb2: {  	s29 =	simm.s32 $0x9;
	_ =	strace $0x8000004B  }
0xb3: {  	_ =	swait.ge [sflag:s29], $0x1  }
0xb4: {  	[sflag:s29] =	ssyncadd.s32 $0xFFFFFFFF  }
0xb5: {  	_ =	strace $0x9000004B  }
0xb6: {  	_ =	sfence  }
0xb7: {  	s30 =	sld [smem:$0x0];
	_ =	sdelay $0x2  }
0xb8: {  	s31 =	sshll.u32 s1, $0xD;
	s1 =	sshrl.u32 s1, $0x2  }
0xb9: {  	s3 =	sand.u32 $0x4000, s31;
	s1 =	sadd.s32 s1, s30  }
0xba: {  	s0 =	sor.u32 s3, s0;
	s1 =	sshll.u32 s1, $0x11  }
0xbb: {  	s0 =	sor.u32 s1, s0  }
0xbc: {  	s0 =	sadd.s32 $0x8F2B, s0  }
0xbd: {  	[sflag:s0] =	ssyncadd.remote.s32 $0x1  }
0xbe: {  	_ =	sfence.sel $0xFFFF  }
0xbf: {  	[dreg:$0x0] =	wrdreg $0xFFFFFFFF;
	(pc) =	sbr.abs _section_cstart, $3  }
0xc0: {  	[dreg:$0x1] =	wrdreg $0xFFFFFFFF  }
0xc1: {  	_ =	task.clear_ibuf [dreg:s6], $0x2FFFF;
	_ =	strace $0x9FFFFFFF  }
0xc2: {  	(tm) =	ssettm $0x7FFFFFFF  }
0xc3: {  	_ =	shalt  }
tec
execute0_lowered:
.L_overlay_start_1:
0x0: {  	(tag) =	ssettag $0x1  }
0x1: {  	s5 =	rddreg [dreg:$0x0]  }
0x2: {  	s2 =	rddreg [dreg:$0x1]  }
0x3: {  	s0 =	rddreg [dreg:$0x2]  }
0x4: {  	s1 =	stileid.u32;
	s3 =	simm.s32 $0x0;
	s4 =	srdreg.scid  }
0x5: {  	s12 =	simm.s32 $0x3;
	s13 =	simm.s32 $0x2780;
	s14 =	simm.s32 $0x80  }
0x6: {  	s15 =	simm.s32 $0x4F00;
	s16 =	simm.s32 $0x6F00;
	s17 =	simm.s32 $0x1  }
0x7: {  	s18 =	simm.s32 $0x2;
	s19 =	simm.s32 $0x4E80;
	s20 =	simm.s32 $0x0  }
0x8: {  	s6 =	smul.u32 $0x9E00, s1;
	[smem:$0x7FF] =	sst s3;
	s4 =	sand.u32 $0x1, s4  }
0x9: {  	s31 =	sshll.u32 s1, $0x6;
	s8 =	sshll.u32 s4, $0x4;
	s9 =	smul.u32 $0x9E000, s4  }
0xa: {  	_ =	strace $0x8000004A;
	s10 =	ssub.s32 $0x2, s4;
	s4 =	sadd.s32 $0x16A00, s5  }
0xb: {  	s7 =	sshrl.u32 s6, $0x3;
	s8 =	sor.u32 s1, s8;
	s11 =	sshrl.u32 s10, $0x1  }
0xc: {  	s30 =	sadd.s32 s6, s2;
	s7 =	sadd.s32 s7, s5;
	s8 =	smul.u32 $0x4F0, s8  }
0xd: {  	s9 =	sadd.s32 s6, s9;
	s10 =	ssub.s32 s10, s11;
	s6 =	sor.u32 $0x1C03, s31  }
0xe: {  	s11 =	sshrl.u32 s30, $0x3;
	s9 =	sshrl.u32 s9, $0x3;
	s10 =	smax.u32 s10, $0x1  }
0xf: {  	s8 =	sadd.s32 s8, s5;
	s9 =	sadd.s32 s9, s5;
	s5 =	sadd.s32 $0x2A400, s7  }
0x10: {  	s7 =	sadd.s32 $0xCC00, s8;
	s8 =	sadd.s32 $0x2E00, s8;
	s9 =	sadd.s32 $0x3E000, s9  }
.LBB2_1:
0x11: {  	[spmem:s11], [sflag:s6] =	dma.local [hbm:s5], $0x13C0  }
0x12: {  	_ =	swait.ge [sflag:s12], $0x13C0  }
0x13: {  	[sflag:s12] =	ssyncset.done $0x0  }
0x14: {  	[sflag:s12] =	ssyncadd.s32 $0xFFFFEC40  }
0x15: {  	[tilespmem:s3], [sflag:$0x3] =	stream.linear.gather [hbm4b:s7+s3], $0x2780, $0x38;
	[tilespmem:$0x12D00] =	vst v63  }
0x16: {  	_ =	swait.ge [sflag:s12], $0x2780  }
0x17: {  	[sflag:s12] =	ssyncset.done $0x0  }
0x18: {  	[sflag:s12] =	ssyncadd.s32 $0xFFFFD880  }
0x19: {  	[tilespmem:s13], [sflag:$0x3] =	stream.linear.gather [hbm4b:s8+s3], $0x2780, $0x38;
	[tilespmem:$0x12D00] =	vst v63  }
0x1a: {  	_ =	swait.ge [sflag:s12], $0x2780  }
0x1b: {  	[sflag:s12] =	ssyncset.done $0x0  }
0x1c: {  	[sflag:s12] =	ssyncadd.s32 $0xFFFFD880  }
0x1d: {  	[bflag:$0x0] =	sbarrier.arrive $0xFFFF  }
0x1e: {  	[tilespmem:s15], [sflag:$0x1] =	stream.indirect.gather [hbm4b:s4+s14], $0x40, s3, s14, $0xb8;
	[tilespmem:$0x12D00] =	vst v63  }
0x1f: {  	s21 =	simm.s32 $0x80  }
0x20: {  	[tilespmem:s16], [sflag:$0x2] =	stream.indirect.gather [hbm4b:s4+s14], $0x40, s21, s14, $0xb8;
	[tilespmem:$0x12D00] =	vst v63  }
0x21: {  	_ =	swait.ge [sflag:s17], $0x2000  }
0x22: {  	[sflag:s17] =	ssyncset.done $0x0  }
0x23: {  	s29 =	simm.s32 $0x2780;
	[sflag:s17] =	ssyncadd.s32 $0xFFFFE000  }
0x24: {  	[spmem:s2] =	stream.indirect.scatter.add.f32 [tilespmem:s15], [sflag:$0x3], $0x40, s29, s14, $0xb8;
	[tilespmem:$0x12D00] =	vst v63  }
0x25: {  	_ =	swait.ge [sflag:s12], $0x2000  }
0x26: {  	[sflag:s12] =	ssyncset.done $0x0  }
0x27: {  	s30 =	simm.s32 $0x100;
	[sflag:s12] =	ssyncadd.s32 $0xFFFFE000  }
0x28: {  	[tilespmem:s15], [sflag:$0x1] =	stream.indirect.gather [hbm4b:s4+s14], $0x40, s30, s14, $0xb8;
	[tilespmem:$0x12D00] =	vst v63  }
0x29: {  	_ =	swait.ge [sflag:s18], $0x2000  }
0x2a: {  	[sflag:s18] =	ssyncset.done $0x0  }
0x2b: {  	s31 =	simm.s32 $0x2800;
	[sflag:s18] =	ssyncadd.s32 $0xFFFFE000  }
0x2c: {  	[spmem:s2] =	stream.indirect.scatter.add.f32 [tilespmem:s16], [sflag:$0x3], $0x40, s31, s14, $0xb8;
	[tilespmem:$0x12D00] =	vst v63  }
0x2d: {  	_ =	swait.ge [sflag:s12], $0x2000  }
0x2e: {  	s22 =	simm.s32 $0x800;
	s21 =	simm.s32 $0x100;
	[sflag:s12] =	ssyncset.done $0x0  }
.LBB2_2:
0x2f: {  	s23 =	sadd.s32 $0x80, s21  }
0x30: {  	[sflag:s12] =	ssyncadd.s32 $0xFFFFE000;
	s24 =	smov.u32 s22;
	s25 =	sadd.s32 $0x400, s22  }
0x31: {  	[tilespmem:s16], [sflag:$0x2] =	stream.indirect.gather [hbm4b:s4+s14], $0x40, s23, s14, $0xb8;
	[tilespmem:$0x12D00] =	vst v63  }
0x32: {  	p0 =	sne.s32 s22, $0x9800;
	_ =	swait.ge [sflag:s17], $0x2000  }
0x33: {  	[sflag:s17] =	ssyncset.done $0x0  }
0x34: {  	s22 =	sadd.s32 $0x2780, s21;
	[sflag:s17] =	ssyncadd.s32 $0xFFFFE000  }
0x35: {  	[spmem:s2] =	stream.indirect.scatter.add.f32 [tilespmem:s15], [sflag:$0x3], $0x40, s22, s14, $0xb8;
	[tilespmem:$0x12D00] =	vst v63  }
0x36: {  	_ =	swait.ge [sflag:s12], $0x2000  }
0x37: {  	[sflag:s12] =	ssyncset.done $0x0  }
0x38: {  	s22 =	sadd.s32 $0x100, s21;
	[sflag:s12] =	ssyncadd.s32 $0xFFFFE000  }
0x39: {  	[tilespmem:s15], [sflag:$0x1] =	stream.indirect.gather [hbm4b:s4+s14], $0x40, s22, s14, $0xb8;
	[tilespmem:$0x12D00] =	vst v63  }
0x3a: {  	_ =	swait.ge [sflag:s18], $0x2000  }
.Ltmp0:
0x3b: {  	[sflag:s18] =	ssyncset.done $0x0;
	(pc) =	sbr.rel @p0 .LBB2_2-.Ltmp0, $4  }
0x3c: {  	s21 =	sadd.s32 $0x2800, s21;
	[sflag:s18] =	ssyncadd.s32 $0xFFFFE000  }
0x3d: {  	[spmem:s2] =	stream.indirect.scatter.add.f32 [tilespmem:s16], [sflag:$0x3], $0x40, s21, s14, $0xb8;
	[tilespmem:$0x12D00] =	vst v63  }
0x3e: {  	_ =	swait.ge [sflag:s12], $0x2000  }
0x3f: {  	s22 =	smov.u32 s25;
	s21 =	sshra.s32 s24, $0x2;
	[sflag:s12] =	ssyncset.done $0x0  }
0x40: {  	s22 =	sadd.s32 $0x80, s21;
	[sflag:s12] =	ssyncadd.s32 $0xFFFFE000  }
0x41: {  	[tilespmem:s16], [sflag:$0x2] =	stream.indirect.gather [hbm4b:s4+s14], $0x40, s22, s14, $0xb8;
	[tilespmem:$0x12D00] =	vst v63  }
0x42: {  	_ =	swait.ge [sflag:s17], $0x2000  }
0x43: {  	[sflag:s17] =	ssyncset.done $0x0  }
0x44: {  	s29 =	sadd.s32 $0x2780, s21;
	[sflag:s17] =	ssyncadd.s32 $0xFFFFE000  }
0x45: {  	[spmem:s2] =	stream.indirect.scatter.add.f32 [tilespmem:s15], [sflag:$0x3], $0x40, s29, s14, $0xb8;
	[tilespmem:$0x12D00] =	vst v63  }
0x46: {  	_ =	swait.ge [sflag:s12], $0x2000  }
0x47: {  	[sflag:s12] =	ssyncset.done $0x0  }
0x48: {  	s30 =	sadd.s32 $0x100, s21;
	[sflag:s12] =	ssyncadd.s32 $0xFFFFE000  }
0x49: {  	[tilespmem:s15], [sflag:$0x1] =	stream.indirect.gather [hbm4b:s4+s14], $0x40, s30, s14, $0xb8;
	[tilespmem:$0x12D00] =	vst v63  }
0x4a: {  	_ =	swait.ge [sflag:s18], $0x2000  }
0x4b: {  	[sflag:s18] =	ssyncset.done $0x0  }
0x4c: {  	s31 =	sadd.s32 $0x2800, s21;
	[sflag:s18] =	ssyncadd.s32 $0xFFFFE000  }
0x4d: {  	[spmem:s2] =	stream.indirect.scatter.add.f32 [tilespmem:s16], [sflag:$0x3], $0x40, s31, s14, $0xb8;
	[tilespmem:$0x12D00] =	vst v63  }
0x4e: {  	_ =	swait.ge [sflag:s12], $0x2000  }
0x4f: {  	[sflag:s12] =	ssyncset.done $0x0  }
0x50: {  	[sflag:s12] =	ssyncadd.s32 $0xFFFFE000  }
0x51: {  	_ =	swait.ge [sflag:s17], $0x2000  }
0x52: {  	[sflag:s17] =	ssyncset.done $0x0  }
0x53: {  	[sflag:s17] =	ssyncadd.s32 $0xFFFFE000  }
0x54: {  	[spmem:s2] =	stream.indirect.scatter.add.f32 [tilespmem:s15], [sflag:$0x3], $0x40, s19, s14, $0xb8;
	[tilespmem:$0x12D00] =	vst v63  }
0x55: {  	_ =	swait.ge [sflag:s12], $0x2000  }
0x56: {  	s20 =	sadd.s32 $0x1, s20;
	[sflag:s12] =	ssyncset.done $0x0  }
0x57: {  	p0 =	sne.s32 s20, s10;
	[sflag:s12] =	ssyncadd.s32 $0xFFFFE000  }
.Ltmp1:
0x58: {  	[bflag:$0x0] =	sbarrier.arrive $0xFFFF;
	(pc) =	sbr.rel @p0 .LBB2_1-.Ltmp1, $4  }
0x59: {  	[hbm:s9], [sflag:s6] =	dma.local [spmem:s11], $0x13C0  }
0x5a: {  	_ =	swait.ge [sflag:s12], $0x13C0  }
0x5b: {  	[sflag:s12] =	ssyncset.done $0x0  }
0x5c: {  	[sflag:s12] =	ssyncadd.s32 $0xFFFFEC40  }
0x5d: {  	_ =	sfence.sel $0x180000  }
0x5e: {  	[bflag:$0x0] =	sbarrier.arrive $0xFFFF  }
0x5f: {  	p0 =	sne.s32 s1, $0x0;
	_ =	strace $0x9000004A  }
0x60: {  	s0 =	sadd.s32 @!p0 $0x100000, s0;
	[bflag:$0x2] =	sbarrier.arrive $0xFFFF  }
0x61: {  	[sflag:s0] =	ssyncadd.tile.s32 @!p0 $0x1;
	_ =	shalt  }
.Lfunc_end2:
_tile_overlayer_lowered:
.L_overlay_start_2:
0x62: {  	(tag) =	ssettag $0x2  }
0x63: {  	s0 =	rddreg [dreg:$0x0];
	s2 =	stileid.u32  }
0x64: {  	s1 =	rddreg [dreg:$0x1];
	p0 =	sne.s32 s2, $0x0  }
0x65: {  	s3 =	rddreg [dreg:$0x2];
	[bflag:$0x3] =	sbarrier.arrive $0xFFFF;
	s2 =	simm.s32 @!p0 $0x1C03  }
0x66: {  	[timem:s3], [sflag:s2] =	dma.local @!p0 [hbm:s0], s1  }
0x67: {  	s0 =	simm.s32 @!p0 $0x3  }
0x68: {  	_ =	swait.ge @!p0 [sflag:s0], s1  }
0x69: {  	s1 =	ssub.s32 @!p0 $0x0, s1;
	[sflag:s0] =	ssyncset.done @!p0 $0x0  }
0x6a: {  	[sflag:s0] =	ssyncadd.s32 @!p0 s1  }
0x6b: {  	[bflag:$0x3] =	sbarrier.arrive $0xFFFF  }
0x6c: {  	_ =	shalt  }

// kernel: _run.16.cloned.1.call-start
scs
__scs_entry_jumppad:
0x0: {  	(pc) =	sbr.rel $0x88, $3  }
0x1: {  	(tag) =	ssettag $0x0;
	lr =	simm.s32 $0x1  }
0x2: {  	[smem:$0x3F93] =	sst lr;
	_ =	strace $0xD0000000  }
0x3: {  	_ = 	snop  }
0x4: {  	_ = 	snop  }
0x5: {  	_ = 	snop  }
0x6: {  	_ = 	snop  }
0x7: {  	_ = 	snop  }
__scs_overlays_trampoline_lowered:
0x8: {  	[smem:$0x3FA2] =	sst s0  }
0x9: {  	[smem:$0x3FA3] =	sst s1  }
0xa: {  	[smem:$0x3FA4] =	sst s2  }
0xb: {  	[smem:$0x3FA5] =	sst s3  }
0xc: {  	[smem:$0x3FA6] =	sst s4  }
0xd: {  	[smem:$0x3FA7] =	sst s5  }
0xe: {  	[smem:$0x3FA8] =	sst s6  }
0xf: {  	[smem:$0x3FA9] =	sst s7  }
0x10: {  	[smem:$0x3FAA] =	sst s8  }
0x11: {  	[smem:$0x3FAB] =	sst s9;
	s0 =	simm.s32 @!p0 $0x0  }
0x12: {  	s1 =	sld [smem:$0x3F91];
	s0 =	simm.s32 @p0 $0x1  }
0x13: {  	[smem:$0x3FAC] =	sst s0;
	s0 =	simm.s32 @!p1 $0x0  }
0x14: {  	s2 =	sld [smem:$0x3F90];
	s0 =	simm.s32 @p1 $0x1  }
0x15: {  	[smem:$0x3FAD] =	sst s0;
	s0 =	simm.s32 @!p2 $0x0  }
0x16: {  	s3 =	sld [smem:$0x3FDB];
	s0 =	simm.s32 @p2 $0x1  }
0x17: {  	s4 =	simm.s32 $0x1BF5;
	[smem:$0x3FAF] =	sst s0  }
0x18: {  	s0 =	sld [smem:$0x3F92];
	_ =	swait.ge [sflag:s4], $0x0  }
0x19: {  	s7 =	sld [smem:$0x3F93]  }
0x1a: {  	s8 =	sadd.s32 $0xFFFFE003, lr  }
0x1b: {  	s9 =	sadd.s32 $0xFFFFFEF7, lr;
	s5 =	simm.s32 $0xFFFFFFFF;
	p2 =	slt.u32 s8, $0xFFFFF086  }
0x1c: {  	p1 =	slt.u32 s9, $0xF7A;
	s5 =	simm.s32 @!p2 $0x0  }
0x1d: {  	s5 =	simm.s32 @p1 $0x1;
	p0 =	seq.s32 s7, s2  }
0x1e: {  	s7 =	smul.u32 @!p0 $0xF7A, s2;
	p2 =	seq.s32 @!p0 s5, $0x0  }
0x1f: {  	s9 =	smul.u32 $0xF7A, s1;
	s8 =	simm.s32 @!p0 $0x1BF5;
	p2 =	por !p2, p0  }
0x20: {  	[sflag:s8] =	ssyncset.s32 @!p0 $0xFFFFF086;
	s6 =	sadd.s32 @!p0 s3, s7;
	s7 =	simm.s32 @!p0 $0x108  }
0x21: {  	s3 =	sadd.s32 s3, s9;
	s6 =	sadd.s32 @!p0 $0x88, s6;
	s7 =	simm.s32 @p2 $0x1082  }
0x22: {  	[simem:s7], [sflag:s8] =	dma.local @!p0 [hbm:s6], $0xF7A  }
0x23: {  	s9 =	sor.u32 $0xD0000000, s2;
	s6 =	simm.s32 $0x108;
	_ =	swait.ge @!p0 [sflag:s8], $0x0  }
0x24: {  	s3 =	sadd.s32 $0x88, s3;
	s6 =	simm.s32 @!p1 $0x1082;
	[sflag:s4] =	ssyncset.s32 $0xFFFFF086  }
0x25: {  	[simem:s6], [sflag:s4] =	dma.local [hbm:s3], $0xF7A  }
0x26: {  	[smem:$0x3F93] =	sst s1;
	(tag) =	ssettag s2;
	_ =	strace s9  }
0x27: {  	s1 =	sld [smem:$0x3FA3]  }
0x28: {  	s2 =	sld [smem:$0x3FA4]  }
0x29: {  	s4 =	sld [smem:$0x3FA6]  }
0x2a: {  	p0 =	seq.s32 s5, $0x0;
	s5 =	sld [smem:$0x3FA7]  }
0x2b: {  	s6 =	sld [smem:$0x3FA8]  }
0x2c: {  	s7 =	sld [smem:$0x3FA9]  }
0x2d: {  	s3 =	simm.s32 $0x108;
	s8 =	sld [smem:$0x3FAA]  }
0x2e: {  	s3 =	simm.s32 @!p0 $0x1082;
	s9 =	sld [smem:$0x3FAB]  }
0x2f: {  	lr =	sadd.s32 s0, s3;
	s0 =	sld [smem:$0x3FA2]  }
0x30: {  	s3 =	sld [smem:$0x3FA5]  }
0x31: {  	[smem:$0x3FAE] =	sst s10  }
0x32: {  	s10 =	sld [smem:$0x3FAC];
	_ =	sdelay $0x3  }
0x33: {  	p0 =	seq.s32 s10, $0x1;
	s10 =	sld [smem:$0x3FAE];
	_ =	sdelay $0x3  }
0x34: {  	[smem:$0x3FAE] =	sst s10  }
0x35: {  	s10 =	sld [smem:$0x3FAD];
	_ =	sdelay $0x3  }
0x36: {  	p1 =	seq.s32 s10, $0x1;
	s10 =	sld [smem:$0x3FAE];
	_ =	sdelay $0x3  }
0x37: {  	[smem:$0x3FAE] =	sst s10  }
0x38: {  	s10 =	sld [smem:$0x3FAF]  }
0x39: {  	_ = 	snop;
	(pc) =	sbr.ind lr, $3  }
0x3a: {  	_ = 	snop  }
0x3b: {  	_ = 	snop  }
0x3c: {  	p2 =	seq.s32 s10, $0x1;
	s10 =	sld [smem:$0x3FAE]  }
0x3d: {  	_ =	shalt  }
0x3e: {  	_ =	shalt  }
0x3f: {  	_ =	shalt  }
0x40: {  	_ =	shalt  }
0x41: {  	_ =	shalt  }
0x42: {  	_ =	shalt  }
0x43: {  	_ =	shalt  }
0x44: {  	_ =	shalt  }
0x45: {  	_ =	shalt  }
0x46: {  	_ =	shalt  }
0x47: {  	_ =	shalt  }
0x48: {  	_ =	shalt  }
0x49: {  	_ =	shalt  }
0x4a: {  	_ =	shalt  }
0x4b: {  	_ =	shalt  }
0x4c: {  	_ =	shalt  }
0x4d: {  	_ =	shalt  }
0x4e: {  	_ =	shalt  }
0x4f: {  	_ =	shalt  }
0x50: {  	_ =	shalt  }
0x51: {  	_ =	shalt  }
0x52: {  	_ =	shalt  }
0x53: {  	_ =	shalt  }
0x54: {  	_ =	shalt  }
0x55: {  	_ =	shalt  }
0x56: {  	_ =	shalt  }
0x57: {  	_ =	shalt  }
0x58: {  	_ =	shalt  }
0x59: {  	_ =	shalt  }
0x5a: {  	_ =	shalt  }
0x5b: {  	_ =	shalt  }
0x5c: {  	_ =	shalt  }
0x5d: {  	_ =	shalt  }
0x5e: {  	_ =	shalt  }
0x5f: {  	_ =	shalt  }
0x60: {  	_ =	shalt  }
0x61: {  	_ =	shalt  }
0x62: {  	_ =	shalt  }
0x63: {  	_ =	shalt  }
0x64: {  	_ =	shalt  }
0x65: {  	_ =	shalt  }
0x66: {  	_ =	shalt  }
0x67: {  	_ =	shalt  }
0x68: {  	_ =	shalt  }
0x69: {  	_ =	shalt  }
0x6a: {  	_ =	shalt  }
0x6b: {  	_ =	shalt  }
0x6c: {  	_ =	shalt  }
0x6d: {  	_ =	shalt  }
0x6e: {  	_ =	shalt  }
0x6f: {  	_ =	shalt  }
0x70: {  	_ =	shalt  }
0x71: {  	_ =	shalt  }
0x72: {  	_ =	shalt  }
0x73: {  	_ =	shalt  }
0x74: {  	_ =	shalt  }
0x75: {  	_ =	shalt  }
0x76: {  	_ =	shalt  }
0x77: {  	_ =	shalt  }
0x78: {  	_ =	shalt  }
0x79: {  	_ =	shalt  }
0x7a: {  	_ =	shalt  }
0x7b: {  	_ =	shalt  }
0x7c: {  	_ =	shalt  }
0x7d: {  	_ =	shalt  }
0x7e: {  	_ =	shalt  }
0x7f: {  	_ =	shalt  }
0x80: {  	_ =	shalt  }
0x81: {  	_ =	shalt  }
0x82: {  	_ =	shalt  }
0x83: {  	_ =	shalt  }
0x84: {  	_ =	shalt  }
0x85: {  	_ =	shalt  }
0x86: {  	_ =	shalt  }
0x87: {  	_ =	shalt  }
.Lfunc_end0:
.L_simem_size_0:
called_computation.2_lowered:
.L_overlay_start_0:
0x88: {  	s2 =	sld [smem:$0x3FD9]  }
0x89: {  	s3 =	sld [smem:$0x3FFE];
	_ =	sdelay $0x1  }
0x8a: {  	s1 =	srdreg.scid  }
0x8b: {  	s0 =	sand.u32 $0x1, s1  }
0x8c: {  	s16 =	sshll.u32 s0, $0xA;
	s2 =	sadd.s32 s3, s2  }
0x8d: {  	s2 =	sadd.s32 s2, s16  }
0x8e: {  	[smem:$0x3FBA] =	sst s2  }
0x8f: {  	_ = 	snop  }
0x90: {  	(tm) =	ssettm $0x1  }
0x91: {  	s17 =	sld [smem:$0x3FFB];
	_ =	sdelay $0x3  }
0x92: {  	_ =	strace s17  }
0x93: {  	s2 =	sld [smem:$0x3FFC];
	_ =	sdelay $0x3  }
0x94: {  	_ =	strace s2  }
0x95: {  	s2 =	sld [smem:$0x3FFD];
	_ =	sdelay $0x3  }
0x96: {  	_ =	strace s2  }
0x97: {  	_ =	strace $0x8FFFFFFF  }
0x98: {  	s18 =	sld [smem:$0x3FDB];
	_ =	sdelay $0x1  }
0x99: {  	s19 =	simm.s32 $_scs_section_size  }
0x9a: {  	s4 =	simm.s32 $_size__tile_overlayer_lowered;
	s5 =	simm.s32 $_tile_overlayer_lowered  }
0x9b: {  	s22 =	simm.s32 $0x1BFF;
	s21 =	sshll.u32 s5, $0x1;
	s2 =	sadd.s32 s19, s18  }
0x9c: {  	s6 =	simm.s32 $0x0;
	s20 =	sshll.u32 s4, $0x1;
	s4 =	sadd.s32 s21, s2  }
0x9d: {  	[timem:s6], [sflag:s22] =	dma.local [hbm:s4], s20  }
0x9e: {  	_ =	swait.ge [sflag:s22], s20  }
0x9f: {  	s3 =	ssub.s32 $0x0, s20;
	[sflag:s22] =	ssyncset.done $0x0  }
0xa0: {  	[sflag:s22] =	ssyncadd.s32 s3;
	_ =	sdelay $0x1  }
0xa1: {  	s23 =	simm.s32 $0x1B8B  }
0xa2: {  	_ =	swait.ge [sflag:s23], $0x1  }
0xa3: {  	[sflag:s23] =	ssyncset.done $0x0  }
0xa4: {  	s25 =	simm.s32 $0x1B8E;
	s24 =	sld [smem:$0x3FFE];
	[sflag:s23] =	ssyncadd.s32 $0xFFFFFFFF  }
0xa5: {  	s26 =	simm.s32 $execute0_lowered;
	[smem:$0x3FD2] =	sst s25  }
0xa6: {  	s4 =	sshll.u32 s26, $0x1;
	_ =	strace $0x8000004C;
	[dreg:$0x1] =	wrdreg $0xFFFFFFFF  }
0xa7: {  	s28 =	simm.s32 $_size_execute0_lowered;
	s2 =	sadd.s32 s2, s4;
	[dreg:$0x0] =	wrdreg $0x0  }
0xa8: {  	s4 =	sshll.u32 s28, $0x1;
	[dreg:$0x2] =	wrdreg s2  }
0xa9: {  	[dreg:$0x3] =	wrdreg s4  }
0xaa: {  	[dreg:$0x4] =	wrdreg $0xC0  }
0xab: {  	_ =	task [dreg:s6], $0x5FFFF  }
0xac: {  	[dreg:$0x1] =	wrdreg $0xFFFFFFFF  }
0xad: {  	[dreg:$0x0] =	wrdreg $0x60  }
0xae: {  	[dreg:$0x2] =	wrdreg s24  }
0xaf: {  	[dreg:$0x3] =	wrdreg $0x8F000  }
0xb0: {  	[dreg:$0x4] =	wrdreg $0x9  }
0xb1: {  	_ =	task.clear_ibuf [dreg:s6], $0x5FFFF;
	_ =	strace $0x9000004C  }
0xb2: {  	s29 =	simm.s32 $0x9;
	_ =	strace $0x8000004E  }
0xb3: {  	_ =	swait.ge [sflag:s29], $0x1  }
0xb4: {  	[sflag:s29] =	ssyncadd.s32 $0xFFFFFFFF  }
0xb5: {  	_ =	strace $0x9000004E  }
0xb6: {  	_ =	sfence  }
0xb7: {  	s30 =	sld [smem:$0x0];
	_ =	sdelay $0x2  }
0xb8: {  	s31 =	sshll.u32 s1, $0xD;
	s1 =	sshrl.u32 s1, $0x2  }
0xb9: {  	s3 =	sand.u32 $0x4000, s31;
	s1 =	sadd.s32 s1, s30  }
0xba: {  	s0 =	sor.u32 s3, s0;
	s1 =	sshll.u32 s1, $0x11  }
0xbb: {  	s0 =	sor.u32 s1, s0  }
0xbc: {  	s0 =	sadd.s32 $0x8F2B, s0  }
0xbd: {  	[sflag:s0] =	ssyncadd.remote.s32 $0x1  }
0xbe: {  	_ =	sfence.sel $0xFFFF  }
0xbf: {  	[dreg:$0x0] =	wrdreg $0xFFFFFFFF;
	(pc) =	sbr.abs _section_cstart, $3  }
0xc0: {  	[dreg:$0x1] =	wrdreg $0xFFFFFFFF  }
0xc1: {  	_ =	task.clear_ibuf [dreg:s6], $0x2FFFF;
	_ =	strace $0x9FFFFFFF  }
0xc2: {  	(tm) =	ssettm $0x7FFFFFFF  }
0xc3: {  	_ =	shalt  }
tec
execute0_lowered:
.L_overlay_start_1:
0x0: {  	(tag) =	ssettag $0x1  }
0x1: {  	s5 =	rddreg [dreg:$0x0]  }
0x2: {  	s2 =	rddreg [dreg:$0x1]  }
0x3: {  	s0 =	rddreg [dreg:$0x2]  }
0x4: {  	s1 =	stileid.u32;
	s3 =	simm.s32 $0x0;
	s4 =	srdreg.scid  }
0x5: {  	s12 =	simm.s32 $0x3;
	s13 =	simm.s32 $0x2780;
	s14 =	simm.s32 $0x80  }
0x6: {  	s15 =	simm.s32 $0x4F00;
	s16 =	simm.s32 $0x6F00;
	s17 =	simm.s32 $0x1  }
0x7: {  	s18 =	simm.s32 $0x2;
	s19 =	simm.s32 $0x4E80;
	s20 =	simm.s32 $0x0  }
0x8: {  	s6 =	smul.u32 $0x9E00, s1;
	[smem:$0x7FF] =	sst s3;
	s4 =	sand.u32 $0x1, s4  }
0x9: {  	s31 =	sshll.u32 s1, $0x6;
	s8 =	sshll.u32 s4, $0x4;
	s9 =	smul.u32 $0x9E000, s4  }
0xa: {  	_ =	strace $0x8000004D;
	s10 =	ssub.s32 $0x2, s4;
	s4 =	sadd.s32 $0x16A00, s5  }
0xb: {  	s7 =	sshrl.u32 s6, $0x3;
	s8 =	sor.u32 s1, s8;
	s11 =	sshrl.u32 s10, $0x1  }
0xc: {  	s30 =	sadd.s32 s6, s2;
	s7 =	sadd.s32 s7, s5;
	s8 =	smul.u32 $0x4F0, s8  }
0xd: {  	s9 =	sadd.s32 s6, s9;
	s10 =	ssub.s32 s10, s11;
	s6 =	sor.u32 $0x1C03, s31  }
0xe: {  	s11 =	sshrl.u32 s30, $0x3;
	s9 =	sshrl.u32 s9, $0x3;
	s10 =	smax.u32 s10, $0x1  }
0xf: {  	s8 =	sadd.s32 s8, s5;
	s9 =	sadd.s32 s9, s5;
	s5 =	sadd.s32 $0x2A400, s7  }
0x10: {  	s7 =	sadd.s32 $0xCC00, s8;
	s8 =	sadd.s32 $0x2E00, s8;
	s9 =	sadd.s32 $0x3E000, s9  }
.LBB2_1:
0x11: {  	[spmem:s11], [sflag:s6] =	dma.local [hbm:s5], $0x13C0  }
0x12: {  	_ =	swait.ge [sflag:s12], $0x13C0  }
0x13: {  	[sflag:s12] =	ssyncset.done $0x0  }
0x14: {  	[sflag:s12] =	ssyncadd.s32 $0xFFFFEC40  }
0x15: {  	[tilespmem:s3], [sflag:$0x3] =	stream.linear.gather [hbm4b:s7+s3], $0x2780, $0x38;
	[tilespmem:$0x12D00] =	vst v63  }
0x16: {  	_ =	swait.ge [sflag:s12], $0x2780  }
0x17: {  	[sflag:s12] =	ssyncset.done $0x0  }
0x18: {  	[sflag:s12] =	ssyncadd.s32 $0xFFFFD880  }
0x19: {  	[tilespmem:s13], [sflag:$0x3] =	stream.linear.gather [hbm4b:s8+s3], $0x2780, $0x38;
	[tilespmem:$0x12D00] =	vst v63  }
0x1a: {  	_ =	swait.ge [sflag:s12], $0x2780  }
0x1b: {  	[sflag:s12] =	ssyncset.done $0x0  }
0x1c: {  	[sflag:s12] =	ssyncadd.s32 $0xFFFFD880  }
0x1d: {  	[bflag:$0x0] =	sbarrier.arrive $0xFFFF  }
0x1e: {  	[tilespmem:s15], [sflag:$0x1] =	stream.indirect.gather [hbm4b:s4+s14], $0x40, s3, s14, $0xb8;
	[tilespmem:$0x12D00] =	vst v63  }
0x1f: {  	s21 =	simm.s32 $0x80  }
0x20: {  	[tilespmem:s16], [sflag:$0x2] =	stream.indirect.gather [hbm4b:s4+s14], $0x40, s21, s14, $0xb8;
	[tilespmem:$0x12D00] =	vst v63  }
0x21: {  	_ =	swait.ge [sflag:s17], $0x2000  }
0x22: {  	[sflag:s17] =	ssyncset.done $0x0  }
0x23: {  	s29 =	simm.s32 $0x2780;
	[sflag:s17] =	ssyncadd.s32 $0xFFFFE000  }
0x24: {  	[spmem:s2] =	stream.indirect.scatter.add.f32 [tilespmem:s15], [sflag:$0x3], $0x40, s29, s14, $0xb8;
	[tilespmem:$0x12D00] =	vst v63  }
0x25: {  	_ =	swait.ge [sflag:s12], $0x2000  }
0x26: {  	[sflag:s12] =	ssyncset.done $0x0  }
0x27: {  	s30 =	simm.s32 $0x100;
	[sflag:s12] =	ssyncadd.s32 $0xFFFFE000  }
0x28: {  	[tilespmem:s15], [sflag:$0x1] =	stream.indirect.gather [hbm4b:s4+s14], $0x40, s30, s14, $0xb8;
	[tilespmem:$0x12D00] =	vst v63  }
0x29: {  	_ =	swait.ge [sflag:s18], $0x2000  }
0x2a: {  	[sflag:s18] =	ssyncset.done $0x0  }
0x2b: {  	s31 =	simm.s32 $0x2800;
	[sflag:s18] =	ssyncadd.s32 $0xFFFFE000  }
0x2c: {  	[spmem:s2] =	stream.indirect.scatter.add.f32 [tilespmem:s16], [sflag:$0x3], $0x40, s31, s14, $0xb8;
	[tilespmem:$0x12D00] =	vst v63  }
0x2d: {  	_ =	swait.ge [sflag:s12], $0x2000  }
0x2e: {  	s22 =	simm.s32 $0x800;
	s21 =	simm.s32 $0x100;
	[sflag:s12] =	ssyncset.done $0x0  }
.LBB2_2:
0x2f: {  	s23 =	sadd.s32 $0x80, s21  }
0x30: {  	[sflag:s12] =	ssyncadd.s32 $0xFFFFE000;
	s24 =	smov.u32 s22;
	s25 =	sadd.s32 $0x400, s22  }
0x31: {  	[tilespmem:s16], [sflag:$0x2] =	stream.indirect.gather [hbm4b:s4+s14], $0x40, s23, s14, $0xb8;
	[tilespmem:$0x12D00] =	vst v63  }
0x32: {  	p0 =	sne.s32 s22, $0x9800;
	_ =	swait.ge [sflag:s17], $0x2000  }
0x33: {  	[sflag:s17] =	ssyncset.done $0x0  }
0x34: {  	s22 =	sadd.s32 $0x2780, s21;
	[sflag:s17] =	ssyncadd.s32 $0xFFFFE000  }
0x35: {  	[spmem:s2] =	stream.indirect.scatter.add.f32 [tilespmem:s15], [sflag:$0x3], $0x40, s22, s14, $0xb8;
	[tilespmem:$0x12D00] =	vst v63  }
0x36: {  	_ =	swait.ge [sflag:s12], $0x2000  }
0x37: {  	[sflag:s12] =	ssyncset.done $0x0  }
0x38: {  	s22 =	sadd.s32 $0x100, s21;
	[sflag:s12] =	ssyncadd.s32 $0xFFFFE000  }
0x39: {  	[tilespmem:s15], [sflag:$0x1] =	stream.indirect.gather [hbm4b:s4+s14], $0x40, s22, s14, $0xb8;
	[tilespmem:$0x12D00] =	vst v63  }
0x3a: {  	_ =	swait.ge [sflag:s18], $0x2000  }
.Ltmp0:
0x3b: {  	[sflag:s18] =	ssyncset.done $0x0;
	(pc) =	sbr.rel @p0 .LBB2_2-.Ltmp0, $4  }
0x3c: {  	s21 =	sadd.s32 $0x2800, s21;
	[sflag:s18] =	ssyncadd.s32 $0xFFFFE000  }
0x3d: {  	[spmem:s2] =	stream.indirect.scatter.add.f32 [tilespmem:s16], [sflag:$0x3], $0x40, s21, s14, $0xb8;
	[tilespmem:$0x12D00] =	vst v63  }
0x3e: {  	_ =	swait.ge [sflag:s12], $0x2000  }
0x3f: {  	s22 =	smov.u32 s25;
	s21 =	sshra.s32 s24, $0x2;
	[sflag:s12] =	ssyncset.done $0x0  }
0x40: {  	s22 =	sadd.s32 $0x80, s21;
	[sflag:s12] =	ssyncadd.s32 $0xFFFFE000  }
0x41: {  	[tilespmem:s16], [sflag:$0x2] =	stream.indirect.gather [hbm4b:s4+s14], $0x40, s22, s14, $0xb8;
	[tilespmem:$0x12D00] =	vst v63  }
0x42: {  	_ =	swait.ge [sflag:s17], $0x2000  }
0x43: {  	[sflag:s17] =	ssyncset.done $0x0  }
0x44: {  	s29 =	sadd.s32 $0x2780, s21;
	[sflag:s17] =	ssyncadd.s32 $0xFFFFE000  }
0x45: {  	[spmem:s2] =	stream.indirect.scatter.add.f32 [tilespmem:s15], [sflag:$0x3], $0x40, s29, s14, $0xb8;
	[tilespmem:$0x12D00] =	vst v63  }
0x46: {  	_ =	swait.ge [sflag:s12], $0x2000  }
0x47: {  	[sflag:s12] =	ssyncset.done $0x0  }
0x48: {  	s30 =	sadd.s32 $0x100, s21;
	[sflag:s12] =	ssyncadd.s32 $0xFFFFE000  }
0x49: {  	[tilespmem:s15], [sflag:$0x1] =	stream.indirect.gather [hbm4b:s4+s14], $0x40, s30, s14, $0xb8;
	[tilespmem:$0x12D00] =	vst v63  }
0x4a: {  	_ =	swait.ge [sflag:s18], $0x2000  }
0x4b: {  	[sflag:s18] =	ssyncset.done $0x0  }
0x4c: {  	s31 =	sadd.s32 $0x2800, s21;
	[sflag:s18] =	ssyncadd.s32 $0xFFFFE000  }
0x4d: {  	[spmem:s2] =	stream.indirect.scatter.add.f32 [tilespmem:s16], [sflag:$0x3], $0x40, s31, s14, $0xb8;
	[tilespmem:$0x12D00] =	vst v63  }
0x4e: {  	_ =	swait.ge [sflag:s12], $0x2000  }
0x4f: {  	[sflag:s12] =	ssyncset.done $0x0  }
0x50: {  	[sflag:s12] =	ssyncadd.s32 $0xFFFFE000  }
0x51: {  	_ =	swait.ge [sflag:s17], $0x2000  }
0x52: {  	[sflag:s17] =	ssyncset.done $0x0  }
0x53: {  	[sflag:s17] =	ssyncadd.s32 $0xFFFFE000  }
0x54: {  	[spmem:s2] =	stream.indirect.scatter.add.f32 [tilespmem:s15], [sflag:$0x3], $0x40, s19, s14, $0xb8;
	[tilespmem:$0x12D00] =	vst v63  }
0x55: {  	_ =	swait.ge [sflag:s12], $0x2000  }
0x56: {  	s20 =	sadd.s32 $0x1, s20;
	[sflag:s12] =	ssyncset.done $0x0  }
0x57: {  	p0 =	sne.s32 s20, s10;
	[sflag:s12] =	ssyncadd.s32 $0xFFFFE000  }
.Ltmp1:
0x58: {  	[bflag:$0x0] =	sbarrier.arrive $0xFFFF;
	(pc) =	sbr.rel @p0 .LBB2_1-.Ltmp1, $4  }
0x59: {  	[hbm:s9], [sflag:s6] =	dma.local [spmem:s11], $0x13C0  }
0x5a: {  	_ =	swait.ge [sflag:s12], $0x13C0  }
0x5b: {  	[sflag:s12] =	ssyncset.done $0x0  }
0x5c: {  	[sflag:s12] =	ssyncadd.s32 $0xFFFFEC40  }
0x5d: {  	_ =	sfence.sel $0x180000  }
0x5e: {  	[bflag:$0x0] =	sbarrier.arrive $0xFFFF  }
0x5f: {  	p0 =	sne.s32 s1, $0x0;
	_ =	strace $0x9000004D  }
0x60: {  	s0 =	sadd.s32 @!p0 $0x100000, s0;
	[bflag:$0x2] =	sbarrier.arrive $0xFFFF  }
0x61: {  	[sflag:s0] =	ssyncadd.tile.s32 @!p0 $0x1;
	_ =	shalt  }
.Lfunc_end2:
_tile_overlayer_lowered:
.L_overlay_start_2:
0x62: {  	(tag) =	ssettag $0x2  }
0x63: {  	s0 =	rddreg [dreg:$0x0];
	s2 =	stileid.u32  }
0x64: {  	s1 =	rddreg [dreg:$0x1];
	p0 =	sne.s32 s2, $0x0  }
0x65: {  	s3 =	rddreg [dreg:$0x2];
	[bflag:$0x3] =	sbarrier.arrive $0xFFFF;
	s2 =	simm.s32 @!p0 $0x1C03  }
0x66: {  	[timem:s3], [sflag:s2] =	dma.local @!p0 [hbm:s0], s1  }
0x67: {  	s0 =	simm.s32 @!p0 $0x3  }
0x68: {  	_ =	swait.ge @!p0 [sflag:s0], s1  }
0x69: {  	s1 =	ssub.s32 @!p0 $0x0, s1;
	[sflag:s0] =	ssyncset.done @!p0 $0x0  }
0x6a: {  	[sflag:s0] =	ssyncadd.s32 @!p0 s1  }
0x6b: {  	[bflag:$0x3] =	sbarrier.arrive $0xFFFF  }
0x6c: {  	_ =	shalt  }

// kernel: _run.19.cloned.1.call-start
scs
__scs_entry_jumppad:
0x0: {  	(pc) =	sbr.rel $0x88, $3  }
0x1: {  	(tag) =	ssettag $0x0;
	lr =	simm.s32 $0x1  }
0x2: {  	[smem:$0x3F93] =	sst lr;
	_ =	strace $0xD0000000  }
0x3: {  	_ = 	snop  }
0x4: {  	_ = 	snop  }
0x5: {  	_ = 	snop  }
0x6: {  	_ = 	snop  }
0x7: {  	_ = 	snop  }
__scs_overlays_trampoline_lowered:
0x8: {  	[smem:$0x3FA2] =	sst s0  }
0x9: {  	[smem:$0x3FA3] =	sst s1  }
0xa: {  	[smem:$0x3FA4] =	sst s2  }
0xb: {  	[smem:$0x3FA5] =	sst s3  }
0xc: {  	[smem:$0x3FA6] =	sst s4  }
0xd: {  	[smem:$0x3FA7] =	sst s5  }
0xe: {  	[smem:$0x3FA8] =	sst s6  }
0xf: {  	[smem:$0x3FA9] =	sst s7  }
0x10: {  	[smem:$0x3FAA] =	sst s8  }
0x11: {  	[smem:$0x3FAB] =	sst s9;
	s0 =	simm.s32 @!p0 $0x0  }
0x12: {  	s1 =	sld [smem:$0x3F91];
	s0 =	simm.s32 @p0 $0x1  }
0x13: {  	[smem:$0x3FAC] =	sst s0;
	s0 =	simm.s32 @!p1 $0x0  }
0x14: {  	s2 =	sld [smem:$0x3F90];
	s0 =	simm.s32 @p1 $0x1  }
0x15: {  	[smem:$0x3FAD] =	sst s0;
	s0 =	simm.s32 @!p2 $0x0  }
0x16: {  	s3 =	sld [smem:$0x3FDB];
	s0 =	simm.s32 @p2 $0x1  }
0x17: {  	s4 =	simm.s32 $0x1BF5;
	[smem:$0x3FAF] =	sst s0  }
0x18: {  	s0 =	sld [smem:$0x3F92];
	_ =	swait.ge [sflag:s4], $0x0  }
0x19: {  	s7 =	sld [smem:$0x3F93]  }
0x1a: {  	s8 =	sadd.s32 $0xFFFFE003, lr  }
0x1b: {  	s9 =	sadd.s32 $0xFFFFFEF7, lr;
	s5 =	simm.s32 $0xFFFFFFFF;
	p2 =	slt.u32 s8, $0xFFFFF086  }
0x1c: {  	p1 =	slt.u32 s9, $0xF7A;
	s5 =	simm.s32 @!p2 $0x0  }
0x1d: {  	s5 =	simm.s32 @p1 $0x1;
	p0 =	seq.s32 s7, s2  }
0x1e: {  	s7 =	smul.u32 @!p0 $0xF7A, s2;
	p2 =	seq.s32 @!p0 s5, $0x0  }
0x1f: {  	s9 =	smul.u32 $0xF7A, s1;
	s8 =	simm.s32 @!p0 $0x1BF5;
	p2 =	por !p2, p0  }
0x20: {  	[sflag:s8] =	ssyncset.s32 @!p0 $0xFFFFF086;
	s6 =	sadd.s32 @!p0 s3, s7;
	s7 =	simm.s32 @!p0 $0x108  }
0x21: {  	s3 =	sadd.s32 s3, s9;
	s6 =	sadd.s32 @!p0 $0x88, s6;
	s7 =	simm.s32 @p2 $0x1082  }
0x22: {  	[simem:s7], [sflag:s8] =	dma.local @!p0 [hbm:s6], $0xF7A  }
0x23: {  	s9 =	sor.u32 $0xD0000000, s2;
	s6 =	simm.s32 $0x108;
	_ =	swait.ge @!p0 [sflag:s8], $0x0  }
0x24: {  	s3 =	sadd.s32 $0x88, s3;
	s6 =	simm.s32 @!p1 $0x1082;
	[sflag:s4] =	ssyncset.s32 $0xFFFFF086  }
0x25: {  	[simem:s6], [sflag:s4] =	dma.local [hbm:s3], $0xF7A  }
0x26: {  	[smem:$0x3F93] =	sst s1;
	(tag) =	ssettag s2;
	_ =	strace s9  }
0x27: {  	s1 =	sld [smem:$0x3FA3]  }
0x28: {  	s2 =	sld [smem:$0x3FA4]  }
0x29: {  	s4 =	sld [smem:$0x3FA6]  }
0x2a: {  	p0 =	seq.s32 s5, $0x0;
	s5 =	sld [smem:$0x3FA7]  }
0x2b: {  	s6 =	sld [smem:$0x3FA8]  }
0x2c: {  	s7 =	sld [smem:$0x3FA9]  }
0x2d: {  	s3 =	simm.s32 $0x108;
	s8 =	sld [smem:$0x3FAA]  }
0x2e: {  	s3 =	simm.s32 @!p0 $0x1082;
	s9 =	sld [smem:$0x3FAB]  }
0x2f: {  	lr =	sadd.s32 s0, s3;
	s0 =	sld [smem:$0x3FA2]  }
0x30: {  	s3 =	sld [smem:$0x3FA5]  }
0x31: {  	[smem:$0x3FAE] =	sst s10  }
0x32: {  	s10 =	sld [smem:$0x3FAC];
	_ =	sdelay $0x3  }
0x33: {  	p0 =	seq.s32 s10, $0x1;
	s10 =	sld [smem:$0x3FAE];
	_ =	sdelay $0x3  }
0x34: {  	[smem:$0x3FAE] =	sst s10  }
0x35: {  	s10 =	sld [smem:$0x3FAD];
	_ =	sdelay $0x3  }
0x36: {  	p1 =	seq.s32 s10, $0x1;
	s10 =	sld [smem:$0x3FAE];
	_ =	sdelay $0x3  }
0x37: {  	[smem:$0x3FAE] =	sst s10  }
0x38: {  	s10 =	sld [smem:$0x3FAF]  }
0x39: {  	_ = 	snop;
	(pc) =	sbr.ind lr, $3  }
0x3a: {  	_ = 	snop  }
0x3b: {  	_ = 	snop  }
0x3c: {  	p2 =	seq.s32 s10, $0x1;
	s10 =	sld [smem:$0x3FAE]  }
0x3d: {  	_ =	shalt  }
0x3e: {  	_ =	shalt  }
0x3f: {  	_ =	shalt  }
0x40: {  	_ =	shalt  }
0x41: {  	_ =	shalt  }
0x42: {  	_ =	shalt  }
0x43: {  	_ =	shalt  }
0x44: {  	_ =	shalt  }
0x45: {  	_ =	shalt  }
0x46: {  	_ =	shalt  }
0x47: {  	_ =	shalt  }
0x48: {  	_ =	shalt  }
0x49: {  	_ =	shalt  }
0x4a: {  	_ =	shalt  }
0x4b: {  	_ =	shalt  }
0x4c: {  	_ =	shalt  }
0x4d: {  	_ =	shalt  }
0x4e: {  	_ =	shalt  }
0x4f: {  	_ =	shalt  }
0x50: {  	_ =	shalt  }
0x51: {  	_ =	shalt  }
0x52: {  	_ =	shalt  }
0x53: {  	_ =	shalt  }
0x54: {  	_ =	shalt  }
0x55: {  	_ =	shalt  }
0x56: {  	_ =	shalt  }
0x57: {  	_ =	shalt  }
0x58: {  	_ =	shalt  }
0x59: {  	_ =	shalt  }
0x5a: {  	_ =	shalt  }
0x5b: {  	_ =	shalt  }
0x5c: {  	_ =	shalt  }
0x5d: {  	_ =	shalt  }
0x5e: {  	_ =	shalt  }
0x5f: {  	_ =	shalt  }
0x60: {  	_ =	shalt  }
0x61: {  	_ =	shalt  }
0x62: {  	_ =	shalt  }
0x63: {  	_ =	shalt  }
0x64: {  	_ =	shalt  }
0x65: {  	_ =	shalt  }
0x66: {  	_ =	shalt  }
0x67: {  	_ =	shalt  }
0x68: {  	_ =	shalt  }
0x69: {  	_ =	shalt  }
0x6a: {  	_ =	shalt  }
0x6b: {  	_ =	shalt  }
0x6c: {  	_ =	shalt  }
0x6d: {  	_ =	shalt  }
0x6e: {  	_ =	shalt  }
0x6f: {  	_ =	shalt  }
0x70: {  	_ =	shalt  }
0x71: {  	_ =	shalt  }
0x72: {  	_ =	shalt  }
0x73: {  	_ =	shalt  }
0x74: {  	_ =	shalt  }
0x75: {  	_ =	shalt  }
0x76: {  	_ =	shalt  }
0x77: {  	_ =	shalt  }
0x78: {  	_ =	shalt  }
0x79: {  	_ =	shalt  }
0x7a: {  	_ =	shalt  }
0x7b: {  	_ =	shalt  }
0x7c: {  	_ =	shalt  }
0x7d: {  	_ =	shalt  }
0x7e: {  	_ =	shalt  }
0x7f: {  	_ =	shalt  }
0x80: {  	_ =	shalt  }
0x81: {  	_ =	shalt  }
0x82: {  	_ =	shalt  }
0x83: {  	_ =	shalt  }
0x84: {  	_ =	shalt  }
0x85: {  	_ =	shalt  }
0x86: {  	_ =	shalt  }
0x87: {  	_ =	shalt  }
.Lfunc_end0:
.L_simem_size_0:
called_computation.3_lowered:
.L_overlay_start_0:
0x88: {  	s2 =	sld [smem:$0x3FD9]  }
0x89: {  	s3 =	sld [smem:$0x3FFE];
	_ =	sdelay $0x1  }
0x8a: {  	s1 =	srdreg.scid  }
0x8b: {  	s0 =	sand.u32 $0x1, s1  }
0x8c: {  	s16 =	sshll.u32 s0, $0xA;
	s2 =	sadd.s32 s3, s2  }
0x8d: {  	s2 =	sadd.s32 s2, s16  }
0x8e: {  	[smem:$0x3FBA] =	sst s2  }
0x8f: {  	_ = 	snop  }
0x90: {  	(tm) =	ssettm $0x1  }
0x91: {  	s17 =	sld [smem:$0x3FFB];
	_ =	sdelay $0x3  }
0x92: {  	_ =	strace s17  }
0x93: {  	s2 =	sld [smem:$0x3FFC];
	_ =	sdelay $0x3  }
0x94: {  	_ =	strace s2  }
0x95: {  	s2 =	sld [smem:$0x3FFD];
	_ =	sdelay $0x3  }
0x96: {  	_ =	strace s2  }
0x97: {  	_ =	strace $0x8FFFFFFF  }
0x98: {  	s18 =	sld [smem:$0x3FDB];
	_ =	sdelay $0x1  }
0x99: {  	s19 =	simm.s32 $_scs_section_size  }
0x9a: {  	s4 =	simm.s32 $_size__tile_overlayer_lowered;
	s5 =	simm.s32 $_tile_overlayer_lowered  }
0x9b: {  	s22 =	simm.s32 $0x1BFF;
	s21 =	sshll.u32 s5, $0x1;
	s2 =	sadd.s32 s19, s18  }
0x9c: {  	s6 =	simm.s32 $0x0;
	s20 =	sshll.u32 s4, $0x1;
	s4 =	sadd.s32 s21, s2  }
0x9d: {  	[timem:s6], [sflag:s22] =	dma.local [hbm:s4], s20  }
0x9e: {  	_ =	swait.ge [sflag:s22], s20  }
0x9f: {  	s3 =	ssub.s32 $0x0, s20;
	[sflag:s22] =	ssyncset.done $0x0  }
0xa0: {  	[sflag:s22] =	ssyncadd.s32 s3;
	_ =	sdelay $0x1  }
0xa1: {  	s23 =	simm.s32 $0x1B8B  }
0xa2: {  	_ =	swait.ge [sflag:s23], $0x1  }
0xa3: {  	[sflag:s23] =	ssyncset.done $0x0  }
0xa4: {  	s25 =	simm.s32 $0x1B8E;
	s24 =	sld [smem:$0x3FFE];
	[sflag:s23] =	ssyncadd.s32 $0xFFFFFFFF  }
0xa5: {  	s26 =	simm.s32 $execute0_lowered;
	[smem:$0x3FD2] =	sst s25  }
0xa6: {  	s4 =	sshll.u32 s26, $0x1;
	_ =	strace $0x8000004F;
	[dreg:$0x1] =	wrdreg $0xFFFFFFFF  }
0xa7: {  	s28 =	simm.s32 $_size_execute0_lowered;
	s2 =	sadd.s32 s2, s4;
	[dreg:$0x0] =	wrdreg $0x0  }
0xa8: {  	s4 =	sshll.u32 s28, $0x1;
	[dreg:$0x2] =	wrdreg s2  }
0xa9: {  	[dreg:$0x3] =	wrdreg s4  }
0xaa: {  	[dreg:$0x4] =	wrdreg $0xC0  }
0xab: {  	_ =	task [dreg:s6], $0x5FFFF  }
0xac: {  	[dreg:$0x1] =	wrdreg $0xFFFFFFFF  }
0xad: {  	[dreg:$0x0] =	wrdreg $0x60  }
0xae: {  	[dreg:$0x2] =	wrdreg s24  }
0xaf: {  	[dreg:$0x3] =	wrdreg $0x8F000  }
0xb0: {  	[dreg:$0x4] =	wrdreg $0x9  }
0xb1: {  	_ =	task.clear_ibuf [dreg:s6], $0x5FFFF;
	_ =	strace $0x9000004F  }
0xb2: {  	s29 =	simm.s32 $0x9;
	_ =	strace $0x80000051  }
0xb3: {  	_ =	swait.ge [sflag:s29], $0x1  }
0xb4: {  	[sflag:s29] =	ssyncadd.s32 $0xFFFFFFFF  }
0xb5: {  	_ =	strace $0x90000051  }
0xb6: {  	_ =	sfence  }
0xb7: {  	s30 =	sld [smem:$0x0];
	_ =	sdelay $0x2  }
0xb8: {  	s31 =	sshll.u32 s1, $0xD;
	s1 =	sshrl.u32 s1, $0x2  }
0xb9: {  	s3 =	sand.u32 $0x4000, s31;
	s1 =	sadd.s32 s1, s30  }
0xba: {  	s0 =	sor.u32 s3, s0;
	s1 =	sshll.u32 s1, $0x11  }
0xbb: {  	s0 =	sor.u32 s1, s0  }
0xbc: {  	s0 =	sadd.s32 $0x8F2B, s0  }
0xbd: {  	[sflag:s0] =	ssyncadd.remote.s32 $0x1  }
0xbe: {  	_ =	sfence.sel $0xFFFF  }
0xbf: {  	[dreg:$0x0] =	wrdreg $0xFFFFFFFF;
	(pc) =	sbr.abs _section_cstart, $3  }
0xc0: {  	[dreg:$0x1] =	wrdreg $0xFFFFFFFF  }
0xc1: {  	_ =	task.clear_ibuf [dreg:s6], $0x2FFFF;
	_ =	strace $0x9FFFFFFF  }
0xc2: {  	(tm) =	ssettm $0x7FFFFFFF  }
0xc3: {  	_ =	shalt  }
tec
execute0_lowered:
.L_overlay_start_1:
0x0: {  	(tag) =	ssettag $0x1  }
0x1: {  	s5 =	rddreg [dreg:$0x0]  }
0x2: {  	s2 =	rddreg [dreg:$0x1]  }
0x3: {  	s0 =	rddreg [dreg:$0x2]  }
0x4: {  	s1 =	stileid.u32;
	s3 =	simm.s32 $0x0;
	s4 =	srdreg.scid  }
0x5: {  	s12 =	simm.s32 $0x3;
	s13 =	simm.s32 $0x2780;
	s14 =	simm.s32 $0x80  }
0x6: {  	s15 =	simm.s32 $0x4F00;
	s16 =	simm.s32 $0x6F00;
	s17 =	simm.s32 $0x1  }
0x7: {  	s18 =	simm.s32 $0x2;
	s19 =	simm.s32 $0x4E80;
	s20 =	simm.s32 $0x0  }
0x8: {  	s6 =	smul.u32 $0x9E00, s1;
	[smem:$0x7FF] =	sst s3;
	s4 =	sand.u32 $0x1, s4  }
0x9: {  	s31 =	sshll.u32 s1, $0x6;
	s8 =	sshll.u32 s4, $0x4;
	s9 =	smul.u32 $0x9E000, s4  }
0xa: {  	_ =	strace $0x80000050;
	s10 =	ssub.s32 $0x2, s4;
	s4 =	sadd.s32 $0x16A00, s5  }
0xb: {  	s7 =	sshrl.u32 s6, $0x3;
	s8 =	sor.u32 s1, s8;
	s11 =	sshrl.u32 s10, $0x1  }
0xc: {  	s30 =	sadd.s32 s6, s2;
	s7 =	sadd.s32 s7, s5;
	s8 =	smul.u32 $0x4F0, s8  }
0xd: {  	s9 =	sadd.s32 s6, s9;
	s10 =	ssub.s32 s10, s11;
	s6 =	sor.u32 $0x1C03, s31  }
0xe: {  	s11 =	sshrl.u32 s30, $0x3;
	s9 =	sshrl.u32 s9, $0x3;
	s10 =	smax.u32 s10, $0x1  }
0xf: {  	s8 =	sadd.s32 s8, s5;
	s9 =	sadd.s32 s9, s5;
	s5 =	sadd.s32 $0x2A400, s7  }
0x10: {  	s7 =	sadd.s32 $0xCC00, s8;
	s8 =	sadd.s32 $0x2E00, s8;
	s9 =	sadd.s32 $0x3E000, s9  }
.LBB2_1:
0x11: {  	[spmem:s11], [sflag:s6] =	dma.local [hbm:s5], $0x13C0  }
0x12: {  	_ =	swait.ge [sflag:s12], $0x13C0  }
0x13: {  	[sflag:s12] =	ssyncset.done $0x0  }
0x14: {  	[sflag:s12] =	ssyncadd.s32 $0xFFFFEC40  }
0x15: {  	[tilespmem:s3], [sflag:$0x3] =	stream.linear.gather [hbm4b:s7+s3], $0x2780, $0x38;
	[tilespmem:$0x12D00] =	vst v63  }
0x16: {  	_ =	swait.ge [sflag:s12], $0x2780  }
0x17: {  	[sflag:s12] =	ssyncset.done $0x0  }
0x18: {  	[sflag:s12] =	ssyncadd.s32 $0xFFFFD880  }
0x19: {  	[tilespmem:s13], [sflag:$0x3] =	stream.linear.gather [hbm4b:s8+s3], $0x2780, $0x38;
	[tilespmem:$0x12D00] =	vst v63  }
0x1a: {  	_ =	swait.ge [sflag:s12], $0x2780  }
0x1b: {  	[sflag:s12] =	ssyncset.done $0x0  }
0x1c: {  	[sflag:s12] =	ssyncadd.s32 $0xFFFFD880  }
0x1d: {  	[bflag:$0x0] =	sbarrier.arrive $0xFFFF  }
0x1e: {  	[tilespmem:s15], [sflag:$0x1] =	stream.indirect.gather [hbm4b:s4+s14], $0x40, s3, s14, $0xb8;
	[tilespmem:$0x12D00] =	vst v63  }
0x1f: {  	s21 =	simm.s32 $0x80  }
0x20: {  	[tilespmem:s16], [sflag:$0x2] =	stream.indirect.gather [hbm4b:s4+s14], $0x40, s21, s14, $0xb8;
	[tilespmem:$0x12D00] =	vst v63  }
0x21: {  	_ =	swait.ge [sflag:s17], $0x2000  }
0x22: {  	[sflag:s17] =	ssyncset.done $0x0  }
0x23: {  	s29 =	simm.s32 $0x2780;
	[sflag:s17] =	ssyncadd.s32 $0xFFFFE000  }
0x24: {  	[spmem:s2] =	stream.indirect.scatter.add.f32 [tilespmem:s15], [sflag:$0x3], $0x40, s29, s14, $0xb8;
	[tilespmem:$0x12D00] =	vst v63  }
0x25: {  	_ =	swait.ge [sflag:s12], $0x2000  }
0x26: {  	[sflag:s12] =	ssyncset.done $0x0  }
0x27: {  	s30 =	simm.s32 $0x100;
	[sflag:s12] =	ssyncadd.s32 $0xFFFFE000  }
0x28: {  	[tilespmem:s15], [sflag:$0x1] =	stream.indirect.gather [hbm4b:s4+s14], $0x40, s30, s14, $0xb8;
	[tilespmem:$0x12D00] =	vst v63  }
0x29: {  	_ =	swait.ge [sflag:s18], $0x2000  }
0x2a: {  	[sflag:s18] =	ssyncset.done $0x0  }
0x2b: {  	s31 =	simm.s32 $0x2800;
	[sflag:s18] =	ssyncadd.s32 $0xFFFFE000  }
0x2c: {  	[spmem:s2] =	stream.indirect.scatter.add.f32 [tilespmem:s16], [sflag:$0x3], $0x40, s31, s14, $0xb8;
	[tilespmem:$0x12D00] =	vst v63  }
0x2d: {  	_ =	swait.ge [sflag:s12], $0x2000  }
0x2e: {  	s22 =	simm.s32 $0x800;
	s21 =	simm.s32 $0x100;
	[sflag:s12] =	ssyncset.done $0x0  }
.LBB2_2:
0x2f: {  	s23 =	sadd.s32 $0x80, s21  }
0x30: {  	[sflag:s12] =	ssyncadd.s32 $0xFFFFE000;
	s24 =	smov.u32 s22;
	s25 =	sadd.s32 $0x400, s22  }
0x31: {  	[tilespmem:s16], [sflag:$0x2] =	stream.indirect.gather [hbm4b:s4+s14], $0x40, s23, s14, $0xb8;
	[tilespmem:$0x12D00] =	vst v63  }
0x32: {  	p0 =	sne.s32 s22, $0x9800;
	_ =	swait.ge [sflag:s17], $0x2000  }
0x33: {  	[sflag:s17] =	ssyncset.done $0x0  }
0x34: {  	s22 =	sadd.s32 $0x2780, s21;
	[sflag:s17] =	ssyncadd.s32 $0xFFFFE000  }
0x35: {  	[spmem:s2] =	stream.indirect.scatter.add.f32 [tilespmem:s15], [sflag:$0x3], $0x40, s22, s14, $0xb8;
	[tilespmem:$0x12D00] =	vst v63  }
0x36: {  	_ =	swait.ge [sflag:s12], $0x2000  }
0x37: {  	[sflag:s12] =	ssyncset.done $0x0  }
0x38: {  	s22 =	sadd.s32 $0x100, s21;
	[sflag:s12] =	ssyncadd.s32 $0xFFFFE000  }
0x39: {  	[tilespmem:s15], [sflag:$0x1] =	stream.indirect.gather [hbm4b:s4+s14], $0x40, s22, s14, $0xb8;
	[tilespmem:$0x12D00] =	vst v63  }
0x3a: {  	_ =	swait.ge [sflag:s18], $0x2000  }
.Ltmp0:
0x3b: {  	[sflag:s18] =	ssyncset.done $0x0;
	(pc) =	sbr.rel @p0 .LBB2_2-.Ltmp0, $4  }
0x3c: {  	s21 =	sadd.s32 $0x2800, s21;
	[sflag:s18] =	ssyncadd.s32 $0xFFFFE000  }
0x3d: {  	[spmem:s2] =	stream.indirect.scatter.add.f32 [tilespmem:s16], [sflag:$0x3], $0x40, s21, s14, $0xb8;
	[tilespmem:$0x12D00] =	vst v63  }
0x3e: {  	_ =	swait.ge [sflag:s12], $0x2000  }
0x3f: {  	s22 =	smov.u32 s25;
	s21 =	sshra.s32 s24, $0x2;
	[sflag:s12] =	ssyncset.done $0x0  }
0x40: {  	s22 =	sadd.s32 $0x80, s21;
	[sflag:s12] =	ssyncadd.s32 $0xFFFFE000  }
0x41: {  	[tilespmem:s16], [sflag:$0x2] =	stream.indirect.gather [hbm4b:s4+s14], $0x40, s22, s14, $0xb8;
	[tilespmem:$0x12D00] =	vst v63  }
0x42: {  	_ =	swait.ge [sflag:s17], $0x2000  }
0x43: {  	[sflag:s17] =	ssyncset.done $0x0  }
0x44: {  	s29 =	sadd.s32 $0x2780, s21;
	[sflag:s17] =	ssyncadd.s32 $0xFFFFE000  }
0x45: {  	[spmem:s2] =	stream.indirect.scatter.add.f32 [tilespmem:s15], [sflag:$0x3], $0x40, s29, s14, $0xb8;
	[tilespmem:$0x12D00] =	vst v63  }
0x46: {  	_ =	swait.ge [sflag:s12], $0x2000  }
0x47: {  	[sflag:s12] =	ssyncset.done $0x0  }
0x48: {  	s30 =	sadd.s32 $0x100, s21;
	[sflag:s12] =	ssyncadd.s32 $0xFFFFE000  }
0x49: {  	[tilespmem:s15], [sflag:$0x1] =	stream.indirect.gather [hbm4b:s4+s14], $0x40, s30, s14, $0xb8;
	[tilespmem:$0x12D00] =	vst v63  }
0x4a: {  	_ =	swait.ge [sflag:s18], $0x2000  }
0x4b: {  	[sflag:s18] =	ssyncset.done $0x0  }
0x4c: {  	s31 =	sadd.s32 $0x2800, s21;
	[sflag:s18] =	ssyncadd.s32 $0xFFFFE000  }
0x4d: {  	[spmem:s2] =	stream.indirect.scatter.add.f32 [tilespmem:s16], [sflag:$0x3], $0x40, s31, s14, $0xb8;
	[tilespmem:$0x12D00] =	vst v63  }
0x4e: {  	_ =	swait.ge [sflag:s12], $0x2000  }
0x4f: {  	[sflag:s12] =	ssyncset.done $0x0  }
0x50: {  	[sflag:s12] =	ssyncadd.s32 $0xFFFFE000  }
0x51: {  	_ =	swait.ge [sflag:s17], $0x2000  }
0x52: {  	[sflag:s17] =	ssyncset.done $0x0  }
0x53: {  	[sflag:s17] =	ssyncadd.s32 $0xFFFFE000  }
0x54: {  	[spmem:s2] =	stream.indirect.scatter.add.f32 [tilespmem:s15], [sflag:$0x3], $0x40, s19, s14, $0xb8;
	[tilespmem:$0x12D00] =	vst v63  }
0x55: {  	_ =	swait.ge [sflag:s12], $0x2000  }
0x56: {  	s20 =	sadd.s32 $0x1, s20;
	[sflag:s12] =	ssyncset.done $0x0  }
0x57: {  	p0 =	sne.s32 s20, s10;
	[sflag:s12] =	ssyncadd.s32 $0xFFFFE000  }
.Ltmp1:
0x58: {  	[bflag:$0x0] =	sbarrier.arrive $0xFFFF;
	(pc) =	sbr.rel @p0 .LBB2_1-.Ltmp1, $4  }
0x59: {  	[hbm:s9], [sflag:s6] =	dma.local [spmem:s11], $0x13C0  }
0x5a: {  	_ =	swait.ge [sflag:s12], $0x13C0  }
0x5b: {  	[sflag:s12] =	ssyncset.done $0x0  }
0x5c: {  	[sflag:s12] =	ssyncadd.s32 $0xFFFFEC40  }
0x5d: {  	_ =	sfence.sel $0x180000  }
0x5e: {  	[bflag:$0x0] =	sbarrier.arrive $0xFFFF  }
0x5f: {  	p0 =	sne.s32 s1, $0x0;
	_ =	strace $0x90000050  }
0x60: {  	s0 =	sadd.s32 @!p0 $0x100000, s0;
	[bflag:$0x2] =	sbarrier.arrive $0xFFFF  }
0x61: {  	[sflag:s0] =	ssyncadd.tile.s32 @!p0 $0x1;
	_ =	shalt  }
.Lfunc_end2:
_tile_overlayer_lowered:
.L_overlay_start_2:
0x62: {  	(tag) =	ssettag $0x2  }
0x63: {  	s0 =	rddreg [dreg:$0x0];
	s2 =	stileid.u32  }
0x64: {  	s1 =	rddreg [dreg:$0x1];
	p0 =	sne.s32 s2, $0x0  }
0x65: {  	s3 =	rddreg [dreg:$0x2];
	[bflag:$0x3] =	sbarrier.arrive $0xFFFF;
	s2 =	simm.s32 @!p0 $0x1C03  }
0x66: {  	[timem:s3], [sflag:s2] =	dma.local @!p0 [hbm:s0], s1  }
0x67: {  	s0 =	simm.s32 @!p0 $0x3  }
0x68: {  	_ =	swait.ge @!p0 [sflag:s0], s1  }
0x69: {  	s1 =	ssub.s32 @!p0 $0x0, s1;
	[sflag:s0] =	ssyncset.done @!p0 $0x0  }
0x6a: {  	[sflag:s0] =	ssyncadd.s32 @!p0 s1  }
0x6b: {  	[bflag:$0x3] =	sbarrier.arrive $0xFFFF  }
0x6c: {  	_ =	shalt  }

</sc_bundles>
